<compile_context>
chip_gen: v7x
topology: tpu7x:2x2x1
jax: 0.10.2.dev20260603
libtpu: 0.0.44.dev20260713+nightly
codegen_flags: <defaults>
</compile_context>

<pallas_src>
import functools

import jax
import jax.numpy as jnp
from jax import lax
from jax.experimental import pallas as pl
from jax.experimental.pallas import tpu as pltpu
from jax.experimental.pallas import tpu_sc as plsc

B, C, NX, NY = 4, 192, 224, 224
N = 16384
NC, NS, L = 2, 16, 16
NW = NC * NS
WPB = NW // B
CPW = C // WPB
CH = 1024
NCHUNK = N // CH

_mesh = plsc.VectorSubcoreMesh(
    core_axis_name="c", subcore_axis_name="s", num_cores=NC, num_subcores=NS
)


@functools.partial(
    pl.kernel,
    out_type=jax.ShapeDtypeStruct((B, C, N), jnp.float32),
    mesh=_mesh,
    scratch_types=[
        pltpu.VMEM((NX, NY), jnp.float32),
        pltpu.VMEM((NX, NY), jnp.float32),
        pltpu.VMEM((N // 2,), jnp.int32),
        pltpu.VMEM((CH,), jnp.float32),
        pltpu.VMEM((CH,), jnp.float32),
        pltpu.SemaphoreType.DMA,
        pltpu.SemaphoreType.DMA,
        pltpu.SemaphoreType.DMA,
        pltpu.SemaphoreType.DMA,
    ],
    compiler_params=pltpu.CompilerParams(
        needs_layout_passes=False,
        disable_semaphore_checks=True,
        skip_device_barrier=True,
    ),
)
def _grid_sampler(
    x_hbm, coords_hbm, out_hbm, p0, p1, idx_v, ob0, ob1, ps0, ps1, os0, os1
):
    wid = lax.axis_index("s") * NC + lax.axis_index("c")
    b = wid // WPB
    c0 = (wid % WPB) * CPW
    lanes = lax.iota(jnp.int32, L)

    def _pack(xv, yv):
        px = jnp.clip(xv * (NX - 1), 0.0, float(NX)).astype(jnp.int32)
        py = jnp.clip(yv * (NY - 1), 0.0, float(NY)).astype(jnp.int32)
        px = jnp.minimum(px, NX - 1)
        py = jnp.minimum(py, NY - 1)
        return lax.shift_left(px, 8) | py

    pltpu.async_copy(x_hbm.at[b, c0], p0, ps0)
    pltpu.async_copy(x_hbm.at[b, c0 + 1], p1, ps1)

    def coords_chunk(ch, _):
        pltpu.sync_copy(coords_hbm.at[b, 0, pl.ds(ch * CH, CH)], ob0)
        pltpu.sync_copy(coords_hbm.at[b, 1, pl.ds(ch * CH, CH)], ob1)

        @plsc.parallel_loop(0, CH // (2 * L), unroll=2)
        def _idx_body(i):
            y0 = ob0[pl.ds(i * L, L)]
            y1 = ob0[pl.ds(CH // 2 + i * L, L)]
            x0 = ob1[pl.ds(i * L, L)]
            x1 = ob1[pl.ds(CH // 2 + i * L, L)]
            w = _pack(x0, y0) | lax.shift_left(_pack(x1, y1), 16)
            idx_v[pl.ds(ch * (CH // 2) + i * L, L)] = w

        return 0

    lax.fori_loop(0, N // CH, coords_chunk, 0, unroll=False)

    def _gather_chunk(plane_v, obuf, w0):
        @plsc.parallel_loop(0, CH // (2 * L), unroll=2)
        def _gather_body(i):
            w = idx_v[pl.ds(w0 + i * L, L)]
            lo = w & 0xFFFF
            hi = lax.shift_right_logical(w, 16)
            v0 = plsc.load_gather(
                plane_v, [lax.shift_right_logical(lo, 8), lo & 255]
            )
            v1 = plsc.load_gather(
                plane_v, [lax.shift_right_logical(hi, 8), hi & 255]
            )
            obuf[pl.ds(i * L, L)] = v0
            obuf[pl.ds(CH // 2 + i * L, L)] = v1

    def _gather_plane(plane_v, ci, fired):
        def pair_body(m, fired):
            def _wait0():
                pltpu.make_async_copy(
                    ob0, out_hbm.at[0, 0, pl.ds(0, CH)], os0
                ).wait()

            def _wait1():
                pltpu.make_async_copy(
                    ob1, out_hbm.at[0, 0, pl.ds(0, CH)], os1
                ).wait()

            pl.when(fired >= 1)(_wait0)
            _gather_chunk(plane_v, ob0, (2 * m) * (CH // 2))
            pltpu.async_copy(ob0, out_hbm.at[b, ci, pl.ds(2 * m * CH, CH)], os0)
            pl.when(fired >= 1)(_wait1)
            _gather_chunk(plane_v, ob1, (2 * m + 1) * (CH // 2))
            pltpu.async_copy(
                ob1, out_hbm.at[b, ci, pl.ds((2 * m + 1) * CH, CH)], os1
            )
            return fired + 1

        return lax.fori_loop(0, NCHUNK // 2, pair_body, fired, unroll=False)

    def plane_pair(jj, fired):
        j0 = 2 * jj
        pltpu.make_async_copy(x_hbm.at[b, c0], p0, ps0).wait()
        fired = _gather_plane(p0, c0 + j0, fired)

        @pl.when(jj < CPW // 2 - 1)
        def _prefetch_p0():
            pltpu.async_copy(x_hbm.at[b, c0 + j0 + 2], p0, ps0)

        pltpu.make_async_copy(x_hbm.at[b, c0], p1, ps1).wait()
        fired = _gather_plane(p1, c0 + j0 + 1, fired)

        @pl.when(jj < CPW // 2 - 1)
        def _prefetch_p1():
            pltpu.async_copy(x_hbm.at[b, c0 + j0 + 3], p1, ps1)

        return fired

    lax.fori_loop(0, CPW // 2, plane_pair, 0, unroll=False)

    pltpu.make_async_copy(ob0, out_hbm.at[0, 0, pl.ds(0, CH)], os0).wait()
    pltpu.make_async_copy(ob1, out_hbm.at[0, 0, pl.ds(0, CH)], os1).wait()


def kernel(x, coords):
    coords_t = coords.transpose(0, 2, 1)
    return _grid_sampler(x, coords_t)

# --- scband reference (transcript-rebuilt; emitter-appended) ---
"""Pipeline reference for scband-nu-grid-sampler-simple-37890201485783 (READ-ONLY COPY).

The authoritative reference and input builder live on the scoring server;
editing this copy changes nothing except your own understanding.
"""

import jax, jax.numpy as jnp
import numpy as np


def setup_inputs(seed: int = 0) -> dict:
    key = jax.random.key(seed)
    k1, k2 = jax.random.split(key)
    x = jax.random.normal(k1, (4, 192, 224, 224), dtype=jnp.float32)
    coords = jax.random.uniform(k2, (4, 16384, 2), dtype=jnp.float32)
    return {"x": x, "coords": coords}


def reference(x, coords):
    # Faithful translation of nu_grid_sampler_simple.forward (nearest-neighbor
    # non-uniform grid sampling via advanced indexing + diagonal batch select).
    b, n, nc = coords.shape
    _, c, nx, ny = x.shape
    positionsx = coords[:, :, 1] * (nx - 1)
    positionsy = coords[:, :, 0] * (ny - 1)
    positionsx = jnp.clip(positionsx, 0, nx)
    positionsy = jnp.clip(positionsy, 0, ny)
    pxi = positionsx.astype(jnp.int32)  # torch .long() truncation; values are non-negative
    pyi = positionsy.astype(jnp.int32)
    # Advanced indexing on dims 2 and 3 (adjacent) -> shape [b, c, b, n]
    g = x[:, :, pxi, pyi]
    diag_m = jnp.arange(b)
    # Non-adjacent advanced indices -> result axes moved to front: [b, c, n]
    out = g[diag_m, :, diag_m]
    return out

if __name__ == "__main__":
    import jax
    _d = setup_inputs()
    print(jax.jit(kernel)(*tuple(_d.values())))

</pallas_src>

<mosaic_0001>
#map = affine_map<(d0, d1) -> (0, 0, 0, 0)>
#map1 = affine_map<(d0, d1) -> (0, 0, 0)>
module attributes {stable_mosaic.version = 14 : i64} {
  func.func @_grid_sampler(%arg0: i32, %arg1: i32, %arg2: memref<4x192x224x224xf32, #tpu.memory_space<hbm>>, %arg3: memref<4x2x16384xf32, #tpu.memory_space<hbm>>, %arg4: memref<4x192x16384xf32, #tpu.memory_space<hbm>>, %arg5: memref<224x224xf32, #tpu.memory_space<vmem>>, %arg6: memref<224x224xf32, #tpu.memory_space<vmem>>, %arg7: memref<8192xi32, #tpu.memory_space<vmem>>, %arg8: memref<1024xf32, #tpu.memory_space<vmem>>, %arg9: memref<1024xf32, #tpu.memory_space<vmem>>, %arg10: memref<!tpu.dma_semaphore, #tpu.memory_space<semaphore_mem>>, %arg11: memref<!tpu.dma_semaphore, #tpu.memory_space<semaphore_mem>>, %arg12: memref<!tpu.dma_semaphore, #tpu.memory_space<semaphore_mem>>, %arg13: memref<!tpu.dma_semaphore, #tpu.memory_space<semaphore_mem>>) attributes {dimension_semantics = [#tpu.dimension_semantics<core_parallel>, #tpu.dimension_semantics<subcore_parallel>], iteration_bounds = array<i64: 2, 16>, scalar_prefetch = 0 : i64, scratch_operands = 9 : i64, tpu.core_type = #tpu.core_type<sc_vector_subcore>, window_params = [{transform_indices = #map}, {transform_indices = #map1}, {transform_indices = #map1}]} {
    %mul3A = arith.constant 2 : i32
    %mul3A_0 = arith.muli %arg1, %mul3A : i32
    %add3A = arith.addi %mul3A_0, %arg0 : i32
    %jit3A = arith.constant 8 : i32
    %div3A = arith.divsi %add3A, %jit3A : i32
    %sign3A = arith.constant 0 : i32
    %sign3A_1 = arith.cmpi sgt, %add3A, %sign3A : i32
    %sign3A_2 = arith.extui %sign3A_1 : i1 to i32
    %sign3A_3 = arith.constant 0 : i32
    %sign3A_4 = arith.cmpi slt, %add3A, %sign3A_3 : i32
    %sign3A_5 = arith.extui %sign3A_4 : i1 to i32
    %sign3A_6 = arith.subi %sign3A_2, %sign3A_5 : i32
    %sign3A_7 = arith.constant 0 : i32
    %sign3A_8 = arith.cmpi sgt, %jit3A, %sign3A_7 : i32
    %sign3A_9 = arith.extui %sign3A_8 : i1 to i32
    %sign3A_10 = arith.constant 0 : i32
    %sign3A_11 = arith.cmpi slt, %jit3A, %sign3A_10 : i32
    %sign3A_12 = arith.extui %sign3A_11 : i1 to i32
    %sign3A_13 = arith.subi %sign3A_9, %sign3A_12 : i32
    %ne3A = arith.cmpi ne, %sign3A_6, %sign3A_13 : i32
    %rem3A = arith.remsi %add3A, %jit3A : i32
    %ne3A_14 = arith.constant 0 : i32
    %ne3A_15 = arith.cmpi ne, %rem3A, %ne3A_14 : i32
    %and3A = arith.andi %ne3A, %ne3A_15 : i1
    %sub3A = arith.constant 1 : i32
    %sub3A_16 = arith.subi %div3A, %sub3A : i32
    %select_n3A = arith.select %and3A, %sub3A_16, %div3A : i32
    %jit3A_17 = arith.constant 8 : i32
    %eq3A = arith.constant 0 : i32
    %eq3A_18 = arith.cmpi eq, %jit3A_17, %eq3A : i32
    %jit3A_19 = arith.constant 1 : i32
    %select_n3A_20 = arith.select %eq3A_18, %jit3A_19, %jit3A_17 : i32
    %rem3A_21 = arith.remsi %add3A, %select_n3A_20 : i32
    %ne3A_22 = arith.constant 0 : i32
    %ne3A_23 = arith.cmpi ne, %rem3A_21, %ne3A_22 : i32
    %lt3A = arith.constant 0 : i32
    %lt3A_24 = arith.cmpi slt, %rem3A_21, %lt3A : i32
    %lt3A_25 = arith.constant 0 : i32
    %lt3A_26 = arith.cmpi slt, %select_n3A_20, %lt3A_25 : i32
    %ne3A_27 = arith.xori %lt3A_24, %lt3A_26 : i1
    %and3A_28 = arith.andi %ne3A_27, %ne3A_23 : i1
    %add3A_29 = arith.addi %rem3A_21, %select_n3A_20 : i32
    %select_n3A_30 = arith.select %and3A_28, %add3A_29, %rem3A_21 : i32
    %mul3A_31 = arith.constant 24 : i32
    %mul3A_32 = arith.muli %select_n3A_30, %mul3A_31 : i32
    %iota3A = tpu.iota {dimensions = array<i32: 0>} : vector<16xi32>
    %dma_start3A = arith.constant 0 : i32
    %dma_start3A_33 = arith.constant 0 : i32
    %dma_start3A_34 = tpu.memref_slice %arg2[%select_n3A, %mul3A_32, %dma_start3A, %dma_start3A_33] : memref<4x192x224x224xf32, #tpu.memory_space<hbm>> -> memref<1x1x224x224xf32, #tpu.memory_space<hbm>>
    %dma_start3A_35 = tpu.memref_squeeze %dma_start3A_34 : memref<1x1x224x224xf32, #tpu.memory_space<hbm>> -> memref<224x224xf32, #tpu.memory_space<hbm>>
    %dma_start3A_36 = arith.constant 0 : i32
    %dma_start3A_37 = arith.constant 0 : i32
    %dma_start3A_38 = tpu.memref_slice %arg2[%select_n3A, %mul3A_32, %dma_start3A_36, %dma_start3A_37] : memref<4x192x224x224xf32, #tpu.memory_space<hbm>> -> memref<1x1x224x224xf32, #tpu.memory_space<hbm>>
    %dma_start3A_39 = tpu.memref_squeeze %dma_start3A_38 : memref<1x1x224x224xf32, #tpu.memory_space<hbm>> -> memref<224x224xf32, #tpu.memory_space<hbm>>
    tpu.enqueue_dma source(%dma_start3A_39 : memref<224x224xf32, #tpu.memory_space<hbm>>) target(%arg5 : memref<224x224xf32, #tpu.memory_space<vmem>>) target_semaphore(%arg10 : memref<!tpu.dma_semaphore, #tpu.memory_space<semaphore_mem>>)
    %add3A_40 = arith.constant 1 : i32
    %add3A_41 = arith.addi %mul3A_32, %add3A_40 : i32
    %dma_start3A_42 = arith.constant 0 : i32
    %dma_start3A_43 = arith.constant 0 : i32
    %dma_start3A_44 = tpu.memref_slice %arg2[%select_n3A, %add3A_41, %dma_start3A_42, %dma_start3A_43] : memref<4x192x224x224xf32, #tpu.memory_space<hbm>> -> memref<1x1x224x224xf32, #tpu.memory_space<hbm>>
    %dma_start3A_45 = tpu.memref_squeeze %dma_start3A_44 : memref<1x1x224x224xf32, #tpu.memory_space<hbm>> -> memref<224x224xf32, #tpu.memory_space<hbm>>
    %dma_start3A_46 = arith.constant 0 : i32
    %dma_start3A_47 = arith.constant 0 : i32
    %dma_start3A_48 = tpu.memref_slice %arg2[%select_n3A, %add3A_41, %dma_start3A_46, %dma_start3A_47] : memref<4x192x224x224xf32, #tpu.memory_space<hbm>> -> memref<1x1x224x224xf32, #tpu.memory_space<hbm>>
    %dma_start3A_49 = tpu.memref_squeeze %dma_start3A_48 : memref<1x1x224x224xf32, #tpu.memory_space<hbm>> -> memref<224x224xf32, #tpu.memory_space<hbm>>
    tpu.enqueue_dma source(%dma_start3A_49 : memref<224x224xf32, #tpu.memory_space<hbm>>) target(%arg6 : memref<224x224xf32, #tpu.memory_space<vmem>>) target_semaphore(%arg11 : memref<!tpu.dma_semaphore, #tpu.memory_space<semaphore_mem>>)
    %scan3A = arith.constant 0 : i32
    %scan3A_50 = arith.constant 0 : i32
    %scan3A_51 = arith.constant 16 : i32
    %scan3A_52 = arith.addi %scan3A_50, %scan3A_51 : i32
    %scan3A_53 = arith.constant 1 : i32
    %scan3A_54 = scf.for %scan3A_78 = %scan3A_50 to %scan3A_52 step %scan3A_53 iter_args(%scan3A_79 = %scan3A) -> (i32)  : i32 {
      %mul3A_80 = arith.constant 1024 : i32
      %mul3A_81 = arith.muli %scan3A_78, %mul3A_80 : i32
      %run_scoped3A = arith.constant 0 : i32
      "tpu.region"() ({
        %run_scoped3A_88 = tpu.sem_alloc : memref<!tpu.dma_semaphore, #tpu.memory_space<semaphore_mem>>
        %dma_start3A_89 = tpu.memref_slice %arg3[%select_n3A, %run_scoped3A, %mul3A_81] : memref<4x2x16384xf32, #tpu.memory_space<hbm>> -> memref<1x1x1024xf32, #tpu.memory_space<hbm>>
        %dma_start3A_90 = tpu.memref_squeeze %dma_start3A_89 : memref<1x1x1024xf32, #tpu.memory_space<hbm>> -> memref<1024xf32, #tpu.memory_space<hbm>>
        %dma_start3A_91 = tpu.memref_slice %arg3[%select_n3A, %run_scoped3A, %mul3A_81] : memref<4x2x16384xf32, #tpu.memory_space<hbm>> -> memref<1x1x1024xf32, #tpu.memory_space<hbm>>
        %dma_start3A_92 = tpu.memref_squeeze %dma_start3A_91 : memref<1x1x1024xf32, #tpu.memory_space<hbm>> -> memref<1024xf32, #tpu.memory_space<hbm>>
        tpu.enqueue_dma source(%dma_start3A_92 : memref<1024xf32, #tpu.memory_space<hbm>>) target(%arg8 : memref<1024xf32, #tpu.memory_space<vmem>>) target_semaphore(%run_scoped3A_88 : memref<!tpu.dma_semaphore, #tpu.memory_space<semaphore_mem>>)
        %dma_wait3A_93 = tpu.memref_slice %arg3[%select_n3A, %run_scoped3A, %mul3A_81] : memref<4x2x16384xf32, #tpu.memory_space<hbm>> -> memref<1x1x1024xf32, #tpu.memory_space<hbm>>
        %dma_wait3A_94 = tpu.memref_squeeze %dma_wait3A_93 : memref<1x1x1024xf32, #tpu.memory_space<hbm>> -> memref<1024xf32, #tpu.memory_space<hbm>>
        %dma_wait3A_95 = tpu.memref_slice %arg3[%select_n3A, %run_scoped3A, %mul3A_81] : memref<4x2x16384xf32, #tpu.memory_space<hbm>> -> memref<1x1x1024xf32, #tpu.memory_space<hbm>>
        %dma_wait3A_96 = tpu.memref_squeeze %dma_wait3A_95 : memref<1x1x1024xf32, #tpu.memory_space<hbm>> -> memref<1024xf32, #tpu.memory_space<hbm>>
        tpu.wait_dma2 semaphore(%run_scoped3A_88 : memref<!tpu.dma_semaphore, #tpu.memory_space<semaphore_mem>>) src(%dma_wait3A_96 : memref<1024xf32, #tpu.memory_space<hbm>>) dst(%arg8 : memref<1024xf32, #tpu.memory_space<vmem>>)
        tpu.yield
      }) : () -> ()
      %mul3A_82 = arith.constant 1024 : i32
      %mul3A_83 = arith.muli %scan3A_78, %mul3A_82 : i32
      %run_scoped3A_84 = arith.constant 1 : i32
      "tpu.region"() ({
        %run_scoped3A_88 = tpu.sem_alloc : memref<!tpu.dma_semaphore, #tpu.memory_space<semaphore_mem>>
        %dma_start3A_89 = tpu.memref_slice %arg3[%select_n3A, %run_scoped3A_84, %mul3A_83] : memref<4x2x16384xf32, #tpu.memory_space<hbm>> -> memref<1x1x1024xf32, #tpu.memory_space<hbm>>
        %dma_start3A_90 = tpu.memref_squeeze %dma_start3A_89 : memref<1x1x1024xf32, #tpu.memory_space<hbm>> -> memref<1024xf32, #tpu.memory_space<hbm>>
        %dma_start3A_91 = tpu.memref_slice %arg3[%select_n3A, %run_scoped3A_84, %mul3A_83] : memref<4x2x16384xf32, #tpu.memory_space<hbm>> -> memref<1x1x1024xf32, #tpu.memory_space<hbm>>
        %dma_start3A_92 = tpu.memref_squeeze %dma_start3A_91 : memref<1x1x1024xf32, #tpu.memory_space<hbm>> -> memref<1024xf32, #tpu.memory_space<hbm>>
        tpu.enqueue_dma source(%dma_start3A_92 : memref<1024xf32, #tpu.memory_space<hbm>>) target(%arg9 : memref<1024xf32, #tpu.memory_space<vmem>>) target_semaphore(%run_scoped3A_88 : memref<!tpu.dma_semaphore, #tpu.memory_space<semaphore_mem>>)
        %dma_wait3A_93 = tpu.memref_slice %arg3[%select_n3A, %run_scoped3A_84, %mul3A_83] : memref<4x2x16384xf32, #tpu.memory_space<hbm>> -> memref<1x1x1024xf32, #tpu.memory_space<hbm>>
        %dma_wait3A_94 = tpu.memref_squeeze %dma_wait3A_93 : memref<1x1x1024xf32, #tpu.memory_space<hbm>> -> memref<1024xf32, #tpu.memory_space<hbm>>
        %dma_wait3A_95 = tpu.memref_slice %arg3[%select_n3A, %run_scoped3A_84, %mul3A_83] : memref<4x2x16384xf32, #tpu.memory_space<hbm>> -> memref<1x1x1024xf32, #tpu.memory_space<hbm>>
        %dma_wait3A_96 = tpu.memref_squeeze %dma_wait3A_95 : memref<1x1x1024xf32, #tpu.memory_space<hbm>> -> memref<1024xf32, #tpu.memory_space<hbm>>
        tpu.wait_dma2 semaphore(%run_scoped3A_88 : memref<!tpu.dma_semaphore, #tpu.memory_space<semaphore_mem>>) src(%dma_wait3A_96 : memref<1024xf32, #tpu.memory_space<hbm>>) dst(%arg9 : memref<1024xf32, #tpu.memory_space<vmem>>)
        tpu.yield
      }) : () -> ()
      %parallel_loop3A = arith.constant 0 : i32
      %parallel_loop3A_85 = arith.constant 32 : i32
      %parallel_loop3A_86 = arith.constant 1 : i32
      scf.for %parallel_loop3A_88 = %parallel_loop3A to %parallel_loop3A_85 step %parallel_loop3A_86  : i32 {
        %parallel_loop3A_89 = arith.constant 16 : i32
        %parallel_loop3A_90 = arith.muli %parallel_loop3A_88, %parallel_loop3A_89 : i32
        %parallel_loop3A_91 = arith.index_cast %parallel_loop3A_90 : i32 to index
        %parallel_loop3A_92 = tpu.vector_load %arg8[%parallel_loop3A_91] {strides = array<i32>} : memref<1024xf32, #tpu.memory_space<vmem>>, vector<16xf32>,
        %parallel_loop3A_93 = arith.constant 16 : i32
        %parallel_loop3A_94 = arith.muli %parallel_loop3A_88, %parallel_loop3A_93 : i32
        %parallel_loop3A_95 = arith.constant 512 : i32
        %parallel_loop3A_96 = arith.addi %parallel_loop3A_95, %parallel_loop3A_94 : i32
        %parallel_loop3A_97 = arith.index_cast %parallel_loop3A_96 : i32 to index
        %parallel_loop3A_98 = tpu.vector_load %arg8[%parallel_loop3A_97] {strides = array<i32>} : memref<1024xf32, #tpu.memory_space<vmem>>, vector<16xf32>,
        %parallel_loop3A_99 = arith.constant 16 : i32
        %parallel_loop3A_100 = arith.muli %parallel_loop3A_88, %parallel_loop3A_99 : i32
        %parallel_loop3A_101 = arith.index_cast %parallel_loop3A_100 : i32 to index
        %parallel_loop3A_102 = tpu.vector_load %arg9[%parallel_loop3A_101] {strides = array<i32>} : memref<1024xf32, #tpu.memory_space<vmem>>, vector<16xf32>,
        %parallel_loop3A_103 = arith.constant 16 : i32
        %parallel_loop3A_104 = arith.muli %parallel_loop3A_88, %parallel_loop3A_103 : i32
        %parallel_loop3A_105 = arith.constant 512 : i32
        %parallel_loop3A_106 = arith.addi %parallel_loop3A_105, %parallel_loop3A_104 : i32
        %parallel_loop3A_107 = arith.index_cast %parallel_loop3A_106 : i32 to index
        %parallel_loop3A_108 = tpu.vector_load %arg9[%parallel_loop3A_107] {strides = array<i32>} : memref<1024xf32, #tpu.memory_space<vmem>>, vector<16xf32>,
        %parallel_loop3A_109 = arith.constant 2.230000e+02 : f32
        %parallel_loop3A_110 = vector.broadcast %parallel_loop3A_109 : f32 to vector<16xf32>
        %parallel_loop3A_111 = arith.mulf %parallel_loop3A_102, %parallel_loop3A_110 : vector<16xf32>
        %parallel_loop3A_112 = arith.constant 0.000000e+00 : f32
        %parallel_loop3A_113 = arith.constant 2.240000e+02 : f32
        %parallel_loop3A_114 = vector.broadcast %parallel_loop3A_112 : f32 to vector<16xf32>
        %parallel_loop3A_115 = arith.maximumf %parallel_loop3A_114, %parallel_loop3A_111 : vector<16xf32>
        %parallel_loop3A_116 = vector.broadcast %parallel_loop3A_113 : f32 to vector<16xf32>
        %parallel_loop3A_117 = arith.minimumf %parallel_loop3A_116, %parallel_loop3A_115 : vector<16xf32>
        %parallel_loop3A_118 = arith.fptosi %parallel_loop3A_117 : vector<16xf32> to vector<16xi32>
        %parallel_loop3A_119 = arith.constant 2.230000e+02 : f32
        %parallel_loop3A_120 = vector.broadcast %parallel_loop3A_119 : f32 to vector<16xf32>
        %parallel_loop3A_121 = arith.mulf %parallel_loop3A_92, %parallel_loop3A_120 : vector<16xf32>
        %parallel_loop3A_122 = arith.constant 0.000000e+00 : f32
        %parallel_loop3A_123 = arith.constant 2.240000e+02 : f32
        %parallel_loop3A_124 = vector.broadcast %parallel_loop3A_122 : f32 to vector<16xf32>
        %parallel_loop3A_125 = arith.maximumf %parallel_loop3A_124, %parallel_loop3A_121 : vector<16xf32>
        %parallel_loop3A_126 = vector.broadcast %parallel_loop3A_123 : f32 to vector<16xf32>
        %parallel_loop3A_127 = arith.minimumf %parallel_loop3A_126, %parallel_loop3A_125 : vector<16xf32>
        %parallel_loop3A_128 = arith.fptosi %parallel_loop3A_127 : vector<16xf32> to vector<16xi32>
        %parallel_loop3A_129 = arith.constant 223 : i32
        %parallel_loop3A_130 = vector.broadcast %parallel_loop3A_129 : i32 to vector<16xi32>
        %parallel_loop3A_131 = arith.minsi %parallel_loop3A_118, %parallel_loop3A_130 : vector<16xi32>
        %parallel_loop3A_132 = arith.constant 223 : i32
        %parallel_loop3A_133 = vector.broadcast %parallel_loop3A_132 : i32 to vector<16xi32>
        %parallel_loop3A_134 = arith.minsi %parallel_loop3A_128, %parallel_loop3A_133 : vector<16xi32>
        %parallel_loop3A_135 = arith.constant 8 : i32
        %parallel_loop3A_136 = vector.broadcast %parallel_loop3A_135 : i32 to vector<16xi32>
        %parallel_loop3A_137 = arith.shli %parallel_loop3A_131, %parallel_loop3A_136 : vector<16xi32>
        %parallel_loop3A_138 = arith.ori %parallel_loop3A_137, %parallel_loop3A_134 : vector<16xi32>
        %parallel_loop3A_139 = arith.constant 2.230000e+02 : f32
        %parallel_loop3A_140 = vector.broadcast %parallel_loop3A_139 : f32 to vector<16xf32>
        %parallel_loop3A_141 = arith.mulf %parallel_loop3A_108, %parallel_loop3A_140 : vector<16xf32>
        %parallel_loop3A_142 = arith.constant 0.000000e+00 : f32
        %parallel_loop3A_143 = arith.constant 2.240000e+02 : f32
        %parallel_loop3A_144 = vector.broadcast %parallel_loop3A_142 : f32 to vector<16xf32>
        %parallel_loop3A_145 = arith.maximumf %parallel_loop3A_144, %parallel_loop3A_141 : vector<16xf32>
        %parallel_loop3A_146 = vector.broadcast %parallel_loop3A_143 : f32 to vector<16xf32>
        %parallel_loop3A_147 = arith.minimumf %parallel_loop3A_146, %parallel_loop3A_145 : vector<16xf32>
        %parallel_loop3A_148 = arith.fptosi %parallel_loop3A_147 : vector<16xf32> to vector<16xi32>
        %parallel_loop3A_149 = arith.constant 2.230000e+02 : f32
        %parallel_loop3A_150 = vector.broadcast %parallel_loop3A_149 : f32 to vector<16xf32>
        %parallel_loop3A_151 = arith.mulf %parallel_loop3A_98, %parallel_loop3A_150 : vector<16xf32>
        %parallel_loop3A_152 = arith.constant 0.000000e+00 : f32
        %parallel_loop3A_153 = arith.constant 2.240000e+02 : f32
        %parallel_loop3A_154 = vector.broadcast %parallel_loop3A_152 : f32 to vector<16xf32>
        %parallel_loop3A_155 = arith.maximumf %parallel_loop3A_154, %parallel_loop3A_151 : vector<16xf32>
        %parallel_loop3A_156 = vector.broadcast %parallel_loop3A_153 : f32 to vector<16xf32>
        %parallel_loop3A_157 = arith.minimumf %parallel_loop3A_156, %parallel_loop3A_155 : vector<16xf32>
        %parallel_loop3A_158 = arith.fptosi %parallel_loop3A_157 : vector<16xf32> to vector<16xi32>
        %parallel_loop3A_159 = arith.constant 223 : i32
        %parallel_loop3A_160 = vector.broadcast %parallel_loop3A_159 : i32 to vector<16xi32>
        %parallel_loop3A_161 = arith.minsi %parallel_loop3A_148, %parallel_loop3A_160 : vector<16xi32>
        %parallel_loop3A_162 = arith.constant 223 : i32
        %parallel_loop3A_163 = vector.broadcast %parallel_loop3A_162 : i32 to vector<16xi32>
        %parallel_loop3A_164 = arith.minsi %parallel_loop3A_158, %parallel_loop3A_163 : vector<16xi32>
        %parallel_loop3A_165 = arith.constant 8 : i32
        %parallel_loop3A_166 = vector.broadcast %parallel_loop3A_165 : i32 to vector<16xi32>
        %parallel_loop3A_167 = arith.shli %parallel_loop3A_161, %parallel_loop3A_166 : vector<16xi32>
        %parallel_loop3A_168 = arith.ori %parallel_loop3A_167, %parallel_loop3A_164 : vector<16xi32>
        %parallel_loop3A_169 = arith.constant 16 : i32
        %parallel_loop3A_170 = vector.broadcast %parallel_loop3A_169 : i32 to vector<16xi32>
        %parallel_loop3A_171 = arith.shli %parallel_loop3A_168, %parallel_loop3A_170 : vector<16xi32>
        %parallel_loop3A_172 = arith.ori %parallel_loop3A_138, %parallel_loop3A_171 : vector<16xi32>
        %parallel_loop3A_173 = arith.constant 512 : i32
        %parallel_loop3A_174 = arith.muli %scan3A_78, %parallel_loop3A_173 : i32
        %parallel_loop3A_175 = arith.constant 16 : i32
        %parallel_loop3A_176 = arith.muli %parallel_loop3A_88, %parallel_loop3A_175 : i32
        %parallel_loop3A_177 = arith.addi %parallel_loop3A_174, %parallel_loop3A_176 : i32
        %parallel_loop3A_178 = arith.index_cast %parallel_loop3A_177 : i32 to index
        %parallel_loop3A_179 = tpu.vector_load %arg7[%parallel_loop3A_178] {strides = array<i32>} : memref<8192xi32, #tpu.memory_space<vmem>>, vector<16xi32>,
        tpu.vector_store %arg7[%parallel_loop3A_178], %parallel_loop3A_172 {strides = array<i32>} : memref<8192xi32, #tpu.memory_space<vmem>>, vector<16xi32>,
      } {sc.loop_unroll_factor = 2 : i64, sc.parallel_access}
      %scan3A_87 = arith.constant 0 : i32
      scf.yield %scan3A_87 : i32
    }
    %scan3A_55 = arith.constant 16 : i32
    %scan3A_56 = arith.constant 0 : i32
    %scan3A_57 = arith.constant 0 : i32
    %scan3A_58 = arith.constant 12 : i32
    %scan3A_59 = arith.addi %scan3A_57, %scan3A_58 : i32
    %scan3A_60 = arith.constant 1 : i32
    %scan3A_61 = scf.for %scan3A_78 = %scan3A_57 to %scan3A_59 step %scan3A_60 iter_args(%scan3A_79 = %scan3A_56) -> (i32)  : i32 {
      %mul3A_80 = arith.constant 2 : i32
      %mul3A_81 = arith.muli %mul3A_80, %scan3A_78 : i32
      %dma_wait3A_82 = arith.constant 0 : i32
      %dma_wait3A_83 = arith.constant 0 : i32
      %dma_wait3A_84 = tpu.memref_slice %arg2[%select_n3A, %mul3A_32, %dma_wait3A_82, %dma_wait3A_83] : memref<4x192x224x224xf32, #tpu.memory_space<hbm>> -> memref<1x1x224x224xf32, #tpu.memory_space<hbm>>
      %dma_wait3A_85 = tpu.memref_squeeze %dma_wait3A_84 : memref<1x1x224x224xf32, #tpu.memory_space<hbm>> -> memref<224x224xf32, #tpu.memory_space<hbm>>
      %dma_wait3A_86 = arith.constant 0 : i32
      %dma_wait3A_87 = arith.constant 0 : i32
      %dma_wait3A_88 = tpu.memref_slice %arg2[%select_n3A, %mul3A_32, %dma_wait3A_86, %dma_wait3A_87] : memref<4x192x224x224xf32, #tpu.memory_space<hbm>> -> memref<1x1x224x224xf32, #tpu.memory_space<hbm>>
      %dma_wait3A_89 = tpu.memref_squeeze %dma_wait3A_88 : memref<1x1x224x224xf32, #tpu.memory_space<hbm>> -> memref<224x224xf32, #tpu.memory_space<hbm>>
      tpu.wait_dma2 semaphore(%arg10 : memref<!tpu.dma_semaphore, #tpu.memory_space<semaphore_mem>>) src(%dma_wait3A_89 : memref<224x224xf32, #tpu.memory_space<hbm>>) dst(%arg5 : memref<224x224xf32, #tpu.memory_space<vmem>>)
      %add3A_90 = arith.addi %mul3A_32, %mul3A_81 : i32
      %scan3A_91 = arith.constant 0 : i32
      %scan3A_92 = arith.constant 8 : i32
      %scan3A_93 = arith.addi %scan3A_91, %scan3A_92 : i32
      %scan3A_94 = arith.constant 1 : i32
      %scan3A_95 = scf.for %scan3A_122 = %scan3A_91 to %scan3A_93 step %scan3A_94 iter_args(%scan3A_123 = %scan3A_79) -> (i32)  : i32 {
        %ge3A = arith.constant 1 : i32
        %ge3A_124 = arith.cmpi sge, %scan3A_123, %ge3A : i32
        %convert_element_type3A_125 = arith.extui %ge3A_124 : i1 to i32
        %cond3A_126 = arith.constant 0 : i32
        %cond3A_127 = arith.cmpi ne, %convert_element_type3A_125, %cond3A_126 : i32
        scf.if %cond3A_127 {
          %dma_wait3A_168 = arith.constant 0 : i32
          %dma_wait3A_169 = arith.constant 0 : i32
          %dma_wait3A_170 = arith.constant 0 : i32
          %dma_wait3A_171 = tpu.memref_slice %arg4[%dma_wait3A_168, %dma_wait3A_169, %dma_wait3A_170] : memref<4x192x16384xf32, #tpu.memory_space<hbm>> -> memref<1x1x1024xf32, #tpu.memory_space<hbm>>
          %dma_wait3A_172 = tpu.memref_squeeze %dma_wait3A_171 : memref<1x1x1024xf32, #tpu.memory_space<hbm>> -> memref<1024xf32, #tpu.memory_space<hbm>>
          %dma_wait3A_173 = arith.constant 0 : i32
          %dma_wait3A_174 = tpu.memref_slice %arg4[%dma_wait3A_168, %dma_wait3A_169, %dma_wait3A_173] : memref<4x192x16384xf32, #tpu.memory_space<hbm>> -> memref<1x1x1024xf32, #tpu.memory_space<hbm>>
          %dma_wait3A_175 = tpu.memref_squeeze %dma_wait3A_174 : memref<1x1x1024xf32, #tpu.memory_space<hbm>> -> memref<1024xf32, #tpu.memory_space<hbm>>
          tpu.wait_dma2 semaphore(%arg12 : memref<!tpu.dma_semaphore, #tpu.memory_space<semaphore_mem>>) src(%arg8 : memref<1024xf32, #tpu.memory_space<vmem>>) dst(%dma_wait3A_175 : memref<1024xf32, #tpu.memory_space<hbm>>)
        } else {
        }
        %mul3A_128 = arith.constant 2 : i32
        %mul3A_129 = arith.muli %mul3A_128, %scan3A_122 : i32
        %mul3A_130 = arith.constant 512 : i32
        %mul3A_131 = arith.muli %mul3A_129, %mul3A_130 : i32
        %parallel_loop3A = arith.constant 0 : i32
        %parallel_loop3A_132 = arith.constant 32 : i32
        %parallel_loop3A_133 = arith.constant 1 : i32
        scf.for %parallel_loop3A_168 = %parallel_loop3A to %parallel_loop3A_132 step %parallel_loop3A_133  : i32 {
          %parallel_loop3A_169 = arith.constant 16 : i32
          %parallel_loop3A_170 = arith.muli %parallel_loop3A_168, %parallel_loop3A_169 : i32
          %parallel_loop3A_171 = arith.addi %mul3A_131, %parallel_loop3A_170 : i32
          %parallel_loop3A_172 = arith.index_cast %parallel_loop3A_171 : i32 to index
          %parallel_loop3A_173 = tpu.vector_load %arg7[%parallel_loop3A_172] {strides = array<i32>} : memref<8192xi32, #tpu.memory_space<vmem>>, vector<16xi32>,
          %parallel_loop3A_174 = arith.constant 65535 : i32
          %parallel_loop3A_175 = vector.broadcast %parallel_loop3A_174 : i32 to vector<16xi32>
          %parallel_loop3A_176 = arith.andi %parallel_loop3A_173, %parallel_loop3A_175 : vector<16xi32>
          %parallel_loop3A_177 = arith.constant 16 : i32
          %parallel_loop3A_178 = vector.broadcast %parallel_loop3A_177 : i32 to vector<16xi32>
          %parallel_loop3A_179 = arith.shrui %parallel_loop3A_173, %parallel_loop3A_178 : vector<16xi32>
          %parallel_loop3A_180 = arith.constant 8 : i32
          %parallel_loop3A_181 = vector.broadcast %parallel_loop3A_180 : i32 to vector<16xi32>
          %parallel_loop3A_182 = arith.shrui %parallel_loop3A_176, %parallel_loop3A_181 : vector<16xi32>
          %parallel_loop3A_183 = arith.constant 255 : i32
          %parallel_loop3A_184 = vector.broadcast %parallel_loop3A_183 : i32 to vector<16xi32>
          %parallel_loop3A_185 = arith.andi %parallel_loop3A_176, %parallel_loop3A_184 : vector<16xi32>
          %parallel_loop3A_186 = tpu.vector_load_idx %arg5[%parallel_loop3A_182, %parallel_loop3A_185] : memref<224x224xf32, #tpu.memory_space<vmem>>[vector<16xi32>, vector<16xi32>], vector<16xf32>,
          %parallel_loop3A_187 = arith.constant 8 : i32
          %parallel_loop3A_188 = vector.broadcast %parallel_loop3A_187 : i32 to vector<16xi32>
          %parallel_loop3A_189 = arith.shrui %parallel_loop3A_179, %parallel_loop3A_188 : vector<16xi32>
          %parallel_loop3A_190 = arith.constant 255 : i32
          %parallel_loop3A_191 = vector.broadcast %parallel_loop3A_190 : i32 to vector<16xi32>
          %parallel_loop3A_192 = arith.andi %parallel_loop3A_179, %parallel_loop3A_191 : vector<16xi32>
          %parallel_loop3A_193 = tpu.vector_load_idx %arg5[%parallel_loop3A_189, %parallel_loop3A_192] : memref<224x224xf32, #tpu.memory_space<vmem>>[vector<16xi32>, vector<16xi32>], vector<16xf32>,
          %parallel_loop3A_194 = arith.constant 16 : i32
          %parallel_loop3A_195 = arith.muli %parallel_loop3A_168, %parallel_loop3A_194 : i32
          %parallel_loop3A_196 = arith.index_cast %parallel_loop3A_195 : i32 to index
          %parallel_loop3A_197 = tpu.vector_load %arg8[%parallel_loop3A_196] {strides = array<i32>} : memref<1024xf32, #tpu.memory_space<vmem>>, vector<16xf32>,
          tpu.vector_store %arg8[%parallel_loop3A_196], %parallel_loop3A_186 {strides = array<i32>} : memref<1024xf32, #tpu.memory_space<vmem>>, vector<16xf32>,
          %parallel_loop3A_198 = arith.constant 16 : i32
          %parallel_loop3A_199 = arith.muli %parallel_loop3A_168, %parallel_loop3A_198 : i32
          %parallel_loop3A_200 = arith.constant 512 : i32
          %parallel_loop3A_201 = arith.addi %parallel_loop3A_200, %parallel_loop3A_199 : i32
          %parallel_loop3A_202 = arith.index_cast %parallel_loop3A_201 : i32 to index
          %parallel_loop3A_203 = tpu.vector_load %arg8[%parallel_loop3A_202] {strides = array<i32>} : memref<1024xf32, #tpu.memory_space<vmem>>, vector<16xf32>,
          tpu.vector_store %arg8[%parallel_loop3A_202], %parallel_loop3A_193 {strides = array<i32>} : memref<1024xf32, #tpu.memory_space<vmem>>, vector<16xf32>,
        } {sc.loop_unroll_factor = 2 : i64, sc.parallel_access}
        %mul3A_134 = arith.constant 2 : i32
        %mul3A_135 = arith.muli %mul3A_134, %scan3A_122 : i32
        %mul3A_136 = arith.constant 1024 : i32
        %mul3A_137 = arith.muli %mul3A_135, %mul3A_136 : i32
        %dma_start3A_138 = tpu.memref_slice %arg4[%select_n3A, %add3A_90, %mul3A_137] : memref<4x192x16384xf32, #tpu.memory_space<hbm>> -> memref<1x1x1024xf32, #tpu.memory_space<hbm>>
        %dma_start3A_139 = tpu.memref_squeeze %dma_start3A_138 : memref<1x1x1024xf32, #tpu.memory_space<hbm>> -> memref<1024xf32, #tpu.memory_space<hbm>>
        %dma_start3A_140 = tpu.memref_slice %arg4[%select_n3A, %add3A_90, %mul3A_137] : memref<4x192x16384xf32, #tpu.memory_space<hbm>> -> memref<1x1x1024xf32, #tpu.memory_space<hbm>>
        %dma_start3A_141 = tpu.memref_squeeze %dma_start3A_140 : memref<1x1x1024xf32, #tpu.memory_space<hbm>> -> memref<1024xf32, #tpu.memory_space<hbm>>
        tpu.enqueue_dma source(%arg8 : memref<1024xf32, #tpu.memory_space<vmem>>) target(%dma_start3A_141 : memref<1024xf32, #tpu.memory_space<hbm>>) target_semaphore(%arg12 : memref<!tpu.dma_semaphore, #tpu.memory_space<semaphore_mem>>)
        %ge3A_142 = arith.constant 1 : i32
        %ge3A_143 = arith.cmpi sge, %scan3A_123, %ge3A_142 : i32
        %convert_element_type3A_144 = arith.extui %ge3A_143 : i1 to i32
        %cond3A_145 = arith.constant 0 : i32
        %cond3A_146 = arith.cmpi ne, %convert_element_type3A_144, %cond3A_145 : i32
        scf.if %cond3A_146 {
          %dma_wait3A_168 = arith.constant 0 : i32
          %dma_wait3A_169 = arith.constant 0 : i32
          %dma_wait3A_170 = arith.constant 0 : i32
          %dma_wait3A_171 = tpu.memref_slice %arg4[%dma_wait3A_168, %dma_wait3A_169, %dma_wait3A_170] : memref<4x192x16384xf32, #tpu.memory_space<hbm>> -> memref<1x1x1024xf32, #tpu.memory_space<hbm>>
          %dma_wait3A_172 = tpu.memref_squeeze %dma_wait3A_171 : memref<1x1x1024xf32, #tpu.memory_space<hbm>> -> memref<1024xf32, #tpu.memory_space<hbm>>
          %dma_wait3A_173 = arith.constant 0 : i32
          %dma_wait3A_174 = tpu.memref_slice %arg4[%dma_wait3A_168, %dma_wait3A_169, %dma_wait3A_173] : memref<4x192x16384xf32, #tpu.memory_space<hbm>> -> memref<1x1x1024xf32, #tpu.memory_space<hbm>>
          %dma_wait3A_175 = tpu.memref_squeeze %dma_wait3A_174 : memref<1x1x1024xf32, #tpu.memory_space<hbm>> -> memref<1024xf32, #tpu.memory_space<hbm>>
          tpu.wait_dma2 semaphore(%arg13 : memref<!tpu.dma_semaphore, #tpu.memory_space<semaphore_mem>>) src(%arg9 : memref<1024xf32, #tpu.memory_space<vmem>>) dst(%dma_wait3A_175 : memref<1024xf32, #tpu.memory_space<hbm>>)
        } else {
        }
        %mul3A_147 = arith.constant 2 : i32
        %mul3A_148 = arith.muli %mul3A_147, %scan3A_122 : i32
        %add3A_149 = arith.constant 1 : i32
        %add3A_150 = arith.addi %mul3A_148, %add3A_149 : i32
        %mul3A_151 = arith.constant 512 : i32
        %mul3A_152 = arith.muli %add3A_150, %mul3A_151 : i32
        %parallel_loop3A_153 = arith.constant 0 : i32
        %parallel_loop3A_154 = arith.constant 32 : i32
        %parallel_loop3A_155 = arith.constant 1 : i32
        scf.for %parallel_loop3A_168 = %parallel_loop3A_153 to %parallel_loop3A_154 step %parallel_loop3A_155  : i32 {
          %parallel_loop3A_169 = arith.constant 16 : i32
          %parallel_loop3A_170 = arith.muli %parallel_loop3A_168, %parallel_loop3A_169 : i32
          %parallel_loop3A_171 = arith.addi %mul3A_152, %parallel_loop3A_170 : i32
          %parallel_loop3A_172 = arith.index_cast %parallel_loop3A_171 : i32 to index
          %parallel_loop3A_173 = tpu.vector_load %arg7[%parallel_loop3A_172] {strides = array<i32>} : memref<8192xi32, #tpu.memory_space<vmem>>, vector<16xi32>,
          %parallel_loop3A_174 = arith.constant 65535 : i32
          %parallel_loop3A_175 = vector.broadcast %parallel_loop3A_174 : i32 to vector<16xi32>
          %parallel_loop3A_176 = arith.andi %parallel_loop3A_173, %parallel_loop3A_175 : vector<16xi32>
          %parallel_loop3A_177 = arith.constant 16 : i32
          %parallel_loop3A_178 = vector.broadcast %parallel_loop3A_177 : i32 to vector<16xi32>
          %parallel_loop3A_179 = arith.shrui %parallel_loop3A_173, %parallel_loop3A_178 : vector<16xi32>
          %parallel_loop3A_180 = arith.constant 8 : i32
          %parallel_loop3A_181 = vector.broadcast %parallel_loop3A_180 : i32 to vector<16xi32>
          %parallel_loop3A_182 = arith.shrui %parallel_loop3A_176, %parallel_loop3A_181 : vector<16xi32>
          %parallel_loop3A_183 = arith.constant 255 : i32
          %parallel_loop3A_184 = vector.broadcast %parallel_loop3A_183 : i32 to vector<16xi32>
          %parallel_loop3A_185 = arith.andi %parallel_loop3A_176, %parallel_loop3A_184 : vector<16xi32>
          %parallel_loop3A_186 = tpu.vector_load_idx %arg5[%parallel_loop3A_182, %parallel_loop3A_185] : memref<224x224xf32, #tpu.memory_space<vmem>>[vector<16xi32>, vector<16xi32>], vector<16xf32>,
          %parallel_loop3A_187 = arith.constant 8 : i32
          %parallel_loop3A_188 = vector.broadcast %parallel_loop3A_187 : i32 to vector<16xi32>
          %parallel_loop3A_189 = arith.shrui %parallel_loop3A_179, %parallel_loop3A_188 : vector<16xi32>
          %parallel_loop3A_190 = arith.constant 255 : i32
          %parallel_loop3A_191 = vector.broadcast %parallel_loop3A_190 : i32 to vector<16xi32>
          %parallel_loop3A_192 = arith.andi %parallel_loop3A_179, %parallel_loop3A_191 : vector<16xi32>
          %parallel_loop3A_193 = tpu.vector_load_idx %arg5[%parallel_loop3A_189, %parallel_loop3A_192] : memref<224x224xf32, #tpu.memory_space<vmem>>[vector<16xi32>, vector<16xi32>], vector<16xf32>,
          %parallel_loop3A_194 = arith.constant 16 : i32
          %parallel_loop3A_195 = arith.muli %parallel_loop3A_168, %parallel_loop3A_194 : i32
          %parallel_loop3A_196 = arith.index_cast %parallel_loop3A_195 : i32 to index
          %parallel_loop3A_197 = tpu.vector_load %arg9[%parallel_loop3A_196] {strides = array<i32>} : memref<1024xf32, #tpu.memory_space<vmem>>, vector<16xf32>,
          tpu.vector_store %arg9[%parallel_loop3A_196], %parallel_loop3A_186 {strides = array<i32>} : memref<1024xf32, #tpu.memory_space<vmem>>, vector<16xf32>,
          %parallel_loop3A_198 = arith.constant 16 : i32
          %parallel_loop3A_199 = arith.muli %parallel_loop3A_168, %parallel_loop3A_198 : i32
          %parallel_loop3A_200 = arith.constant 512 : i32
          %parallel_loop3A_201 = arith.addi %parallel_loop3A_200, %parallel_loop3A_199 : i32
          %parallel_loop3A_202 = arith.index_cast %parallel_loop3A_201 : i32 to index
          %parallel_loop3A_203 = tpu.vector_load %arg9[%parallel_loop3A_202] {strides = array<i32>} : memref<1024xf32, #tpu.memory_space<vmem>>, vector<16xf32>,
          tpu.vector_store %arg9[%parallel_loop3A_202], %parallel_loop3A_193 {strides = array<i32>} : memref<1024xf32, #tpu.memory_space<vmem>>, vector<16xf32>,
        } {sc.loop_unroll_factor = 2 : i64, sc.parallel_access}
        %mul3A_156 = arith.constant 2 : i32
        %mul3A_157 = arith.muli %mul3A_156, %scan3A_122 : i32
        %add3A_158 = arith.constant 1 : i32
        %add3A_159 = arith.addi %mul3A_157, %add3A_158 : i32
        %mul3A_160 = arith.constant 1024 : i32
        %mul3A_161 = arith.muli %add3A_159, %mul3A_160 : i32
        %dma_start3A_162 = tpu.memref_slice %arg4[%select_n3A, %add3A_90, %mul3A_161] : memref<4x192x16384xf32, #tpu.memory_space<hbm>> -> memref<1x1x1024xf32, #tpu.memory_space<hbm>>
        %dma_start3A_163 = tpu.memref_squeeze %dma_start3A_162 : memref<1x1x1024xf32, #tpu.memory_space<hbm>> -> memref<1024xf32, #tpu.memory_space<hbm>>
        %dma_start3A_164 = tpu.memref_slice %arg4[%select_n3A, %add3A_90, %mul3A_161] : memref<4x192x16384xf32, #tpu.memory_space<hbm>> -> memref<1x1x1024xf32, #tpu.memory_space<hbm>>
        %dma_start3A_165 = tpu.memref_squeeze %dma_start3A_164 : memref<1x1x1024xf32, #tpu.memory_space<hbm>> -> memref<1024xf32, #tpu.memory_space<hbm>>
        tpu.enqueue_dma source(%arg9 : memref<1024xf32, #tpu.memory_space<vmem>>) target(%dma_start3A_165 : memref<1024xf32, #tpu.memory_space<hbm>>) target_semaphore(%arg13 : memref<!tpu.dma_semaphore, #tpu.memory_space<semaphore_mem>>)
        %add3A_166 = arith.constant 1 : i32
        %add3A_167 = arith.addi %scan3A_123, %add3A_166 : i32
        scf.yield %add3A_167 : i32
      }
      %scan3A_96 = arith.constant 8 : i32
      %lt3A_97 = arith.constant 11 : i32
      %lt3A_98 = arith.cmpi slt, %scan3A_78, %lt3A_97 : i32
      %convert_element_type3A = arith.extui %lt3A_98 : i1 to i32
      %cond3A = arith.constant 0 : i32
      %cond3A_99 = arith.cmpi ne, %convert_element_type3A, %cond3A : i32
      scf.if %cond3A_99 {
        %add3A_122 = arith.addi %mul3A_32, %mul3A_81 : i32
        %add3A_123 = arith.constant 2 : i32
        %add3A_124 = arith.addi %add3A_122, %add3A_123 : i32
        %dma_start3A_125 = arith.constant 0 : i32
        %dma_start3A_126 = arith.constant 0 : i32
        %dma_start3A_127 = tpu.memref_slice %arg2[%select_n3A, %add3A_124, %dma_start3A_125, %dma_start3A_126] : memref<4x192x224x224xf32, #tpu.memory_space<hbm>> -> memref<1x1x224x224xf32, #tpu.memory_space<hbm>>
        %dma_start3A_128 = tpu.memref_squeeze %dma_start3A_127 : memref<1x1x224x224xf32, #tpu.memory_space<hbm>> -> memref<224x224xf32, #tpu.memory_space<hbm>>
        %dma_start3A_129 = arith.constant 0 : i32
        %dma_start3A_130 = arith.constant 0 : i32
        %dma_start3A_131 = tpu.memref_slice %arg2[%select_n3A, %add3A_124, %dma_start3A_129, %dma_start3A_130] : memref<4x192x224x224xf32, #tpu.memory_space<hbm>> -> memref<1x1x224x224xf32, #tpu.memory_space<hbm>>
        %dma_start3A_132 = tpu.memref_squeeze %dma_start3A_131 : memref<1x1x224x224xf32, #tpu.memory_space<hbm>> -> memref<224x224xf32, #tpu.memory_space<hbm>>
        tpu.enqueue_dma source(%dma_start3A_132 : memref<224x224xf32, #tpu.memory_space<hbm>>) target(%arg5 : memref<224x224xf32, #tpu.memory_space<vmem>>) target_semaphore(%arg10 : memref<!tpu.dma_semaphore, #tpu.memory_space<semaphore_mem>>)
      } else {
      }
      %dma_wait3A_100 = arith.constant 0 : i32
      %dma_wait3A_101 = arith.constant 0 : i32
      %dma_wait3A_102 = tpu.memref_slice %arg2[%select_n3A, %mul3A_32, %dma_wait3A_100, %dma_wait3A_101] : memref<4x192x224x224xf32, #tpu.memory_space<hbm>> -> memref<1x1x224x224xf32, #tpu.memory_space<hbm>>
      %dma_wait3A_103 = tpu.memref_squeeze %dma_wait3A_102 : memref<1x1x224x224xf32, #tpu.memory_space<hbm>> -> memref<224x224xf32, #tpu.memory_space<hbm>>
      %dma_wait3A_104 = arith.constant 0 : i32
      %dma_wait3A_105 = arith.constant 0 : i32
      %dma_wait3A_106 = tpu.memref_slice %arg2[%select_n3A, %mul3A_32, %dma_wait3A_104, %dma_wait3A_105] : memref<4x192x224x224xf32, #tpu.memory_space<hbm>> -> memref<1x1x224x224xf32, #tpu.memory_space<hbm>>
      %dma_wait3A_107 = tpu.memref_squeeze %dma_wait3A_106 : memref<1x1x224x224xf32, #tpu.memory_space<hbm>> -> memref<224x224xf32, #tpu.memory_space<hbm>>
      tpu.wait_dma2 semaphore(%arg11 : memref<!tpu.dma_semaphore, #tpu.memory_space<semaphore_mem>>) src(%dma_wait3A_107 : memref<224x224xf32, #tpu.memory_space<hbm>>) dst(%arg6 : memref<224x224xf32, #tpu.memory_space<vmem>>)
      %add3A_108 = arith.addi %mul3A_32, %mul3A_81 : i32
      %add3A_109 = arith.constant 1 : i32
      %add3A_110 = arith.addi %add3A_108, %add3A_109 : i32
      %scan3A_111 = arith.constant 0 : i32
      %scan3A_112 = arith.constant 8 : i32
      %scan3A_113 = arith.addi %scan3A_111, %scan3A_112 : i32
      %scan3A_114 = arith.constant 1 : i32
      %scan3A_115 = scf.for %scan3A_122 = %scan3A_111 to %scan3A_113 step %scan3A_114 iter_args(%scan3A_123 = %scan3A_95) -> (i32)  : i32 {
        %ge3A = arith.constant 1 : i32
        %ge3A_124 = arith.cmpi sge, %scan3A_123, %ge3A : i32
        %convert_element_type3A_125 = arith.extui %ge3A_124 : i1 to i32
        %cond3A_126 = arith.constant 0 : i32
        %cond3A_127 = arith.cmpi ne, %convert_element_type3A_125, %cond3A_126 : i32
        scf.if %cond3A_127 {
          %dma_wait3A_168 = arith.constant 0 : i32
          %dma_wait3A_169 = arith.constant 0 : i32
          %dma_wait3A_170 = arith.constant 0 : i32
          %dma_wait3A_171 = tpu.memref_slice %arg4[%dma_wait3A_168, %dma_wait3A_169, %dma_wait3A_170] : memref<4x192x16384xf32, #tpu.memory_space<hbm>> -> memref<1x1x1024xf32, #tpu.memory_space<hbm>>
          %dma_wait3A_172 = tpu.memref_squeeze %dma_wait3A_171 : memref<1x1x1024xf32, #tpu.memory_space<hbm>> -> memref<1024xf32, #tpu.memory_space<hbm>>
          %dma_wait3A_173 = arith.constant 0 : i32
          %dma_wait3A_174 = tpu.memref_slice %arg4[%dma_wait3A_168, %dma_wait3A_169, %dma_wait3A_173] : memref<4x192x16384xf32, #tpu.memory_space<hbm>> -> memref<1x1x1024xf32, #tpu.memory_space<hbm>>
          %dma_wait3A_175 = tpu.memref_squeeze %dma_wait3A_174 : memref<1x1x1024xf32, #tpu.memory_space<hbm>> -> memref<1024xf32, #tpu.memory_space<hbm>>
          tpu.wait_dma2 semaphore(%arg12 : memref<!tpu.dma_semaphore, #tpu.memory_space<semaphore_mem>>) src(%arg8 : memref<1024xf32, #tpu.memory_space<vmem>>) dst(%dma_wait3A_175 : memref<1024xf32, #tpu.memory_space<hbm>>)
        } else {
        }
        %mul3A_128 = arith.constant 2 : i32
        %mul3A_129 = arith.muli %mul3A_128, %scan3A_122 : i32
        %mul3A_130 = arith.constant 512 : i32
        %mul3A_131 = arith.muli %mul3A_129, %mul3A_130 : i32
        %parallel_loop3A = arith.constant 0 : i32
        %parallel_loop3A_132 = arith.constant 32 : i32
        %parallel_loop3A_133 = arith.constant 1 : i32
        scf.for %parallel_loop3A_168 = %parallel_loop3A to %parallel_loop3A_132 step %parallel_loop3A_133  : i32 {
          %parallel_loop3A_169 = arith.constant 16 : i32
          %parallel_loop3A_170 = arith.muli %parallel_loop3A_168, %parallel_loop3A_169 : i32
          %parallel_loop3A_171 = arith.addi %mul3A_131, %parallel_loop3A_170 : i32
          %parallel_loop3A_172 = arith.index_cast %parallel_loop3A_171 : i32 to index
          %parallel_loop3A_173 = tpu.vector_load %arg7[%parallel_loop3A_172] {strides = array<i32>} : memref<8192xi32, #tpu.memory_space<vmem>>, vector<16xi32>,
          %parallel_loop3A_174 = arith.constant 65535 : i32
          %parallel_loop3A_175 = vector.broadcast %parallel_loop3A_174 : i32 to vector<16xi32>
          %parallel_loop3A_176 = arith.andi %parallel_loop3A_173, %parallel_loop3A_175 : vector<16xi32>
          %parallel_loop3A_177 = arith.constant 16 : i32
          %parallel_loop3A_178 = vector.broadcast %parallel_loop3A_177 : i32 to vector<16xi32>
          %parallel_loop3A_179 = arith.shrui %parallel_loop3A_173, %parallel_loop3A_178 : vector<16xi32>
          %parallel_loop3A_180 = arith.constant 8 : i32
          %parallel_loop3A_181 = vector.broadcast %parallel_loop3A_180 : i32 to vector<16xi32>
          %parallel_loop3A_182 = arith.shrui %parallel_loop3A_176, %parallel_loop3A_181 : vector<16xi32>
          %parallel_loop3A_183 = arith.constant 255 : i32
          %parallel_loop3A_184 = vector.broadcast %parallel_loop3A_183 : i32 to vector<16xi32>
          %parallel_loop3A_185 = arith.andi %parallel_loop3A_176, %parallel_loop3A_184 : vector<16xi32>
          %parallel_loop3A_186 = tpu.vector_load_idx %arg6[%parallel_loop3A_182, %parallel_loop3A_185] : memref<224x224xf32, #tpu.memory_space<vmem>>[vector<16xi32>, vector<16xi32>], vector<16xf32>,
          %parallel_loop3A_187 = arith.constant 8 : i32
          %parallel_loop3A_188 = vector.broadcast %parallel_loop3A_187 : i32 to vector<16xi32>
          %parallel_loop3A_189 = arith.shrui %parallel_loop3A_179, %parallel_loop3A_188 : vector<16xi32>
          %parallel_loop3A_190 = arith.constant 255 : i32
          %parallel_loop3A_191 = vector.broadcast %parallel_loop3A_190 : i32 to vector<16xi32>
          %parallel_loop3A_192 = arith.andi %parallel_loop3A_179, %parallel_loop3A_191 : vector<16xi32>
          %parallel_loop3A_193 = tpu.vector_load_idx %arg6[%parallel_loop3A_189, %parallel_loop3A_192] : memref<224x224xf32, #tpu.memory_space<vmem>>[vector<16xi32>, vector<16xi32>], vector<16xf32>,
          %parallel_loop3A_194 = arith.constant 16 : i32
          %parallel_loop3A_195 = arith.muli %parallel_loop3A_168, %parallel_loop3A_194 : i32
          %parallel_loop3A_196 = arith.index_cast %parallel_loop3A_195 : i32 to index
          %parallel_loop3A_197 = tpu.vector_load %arg8[%parallel_loop3A_196] {strides = array<i32>} : memref<1024xf32, #tpu.memory_space<vmem>>, vector<16xf32>,
          tpu.vector_store %arg8[%parallel_loop3A_196], %parallel_loop3A_186 {strides = array<i32>} : memref<1024xf32, #tpu.memory_space<vmem>>, vector<16xf32>,
          %parallel_loop3A_198 = arith.constant 16 : i32
          %parallel_loop3A_199 = arith.muli %parallel_loop3A_168, %parallel_loop3A_198 : i32
          %parallel_loop3A_200 = arith.constant 512 : i32
          %parallel_loop3A_201 = arith.addi %parallel_loop3A_200, %parallel_loop3A_199 : i32
          %parallel_loop3A_202 = arith.index_cast %parallel_loop3A_201 : i32 to index
          %parallel_loop3A_203 = tpu.vector_load %arg8[%parallel_loop3A_202] {strides = array<i32>} : memref<1024xf32, #tpu.memory_space<vmem>>, vector<16xf32>,
          tpu.vector_store %arg8[%parallel_loop3A_202], %parallel_loop3A_193 {strides = array<i32>} : memref<1024xf32, #tpu.memory_space<vmem>>, vector<16xf32>,
        } {sc.loop_unroll_factor = 2 : i64, sc.parallel_access}
        %mul3A_134 = arith.constant 2 : i32
        %mul3A_135 = arith.muli %mul3A_134, %scan3A_122 : i32
        %mul3A_136 = arith.constant 1024 : i32
        %mul3A_137 = arith.muli %mul3A_135, %mul3A_136 : i32
        %dma_start3A_138 = tpu.memref_slice %arg4[%select_n3A, %add3A_110, %mul3A_137] : memref<4x192x16384xf32, #tpu.memory_space<hbm>> -> memref<1x1x1024xf32, #tpu.memory_space<hbm>>
        %dma_start3A_139 = tpu.memref_squeeze %dma_start3A_138 : memref<1x1x1024xf32, #tpu.memory_space<hbm>> -> memref<1024xf32, #tpu.memory_space<hbm>>
        %dma_start3A_140 = tpu.memref_slice %arg4[%select_n3A, %add3A_110, %mul3A_137] : memref<4x192x16384xf32, #tpu.memory_space<hbm>> -> memref<1x1x1024xf32, #tpu.memory_space<hbm>>
        %dma_start3A_141 = tpu.memref_squeeze %dma_start3A_140 : memref<1x1x1024xf32, #tpu.memory_space<hbm>> -> memref<1024xf32, #tpu.memory_space<hbm>>
        tpu.enqueue_dma source(%arg8 : memref<1024xf32, #tpu.memory_space<vmem>>) target(%dma_start3A_141 : memref<1024xf32, #tpu.memory_space<hbm>>) target_semaphore(%arg12 : memref<!tpu.dma_semaphore, #tpu.memory_space<semaphore_mem>>)
        %ge3A_142 = arith.constant 1 : i32
        %ge3A_143 = arith.cmpi sge, %scan3A_123, %ge3A_142 : i32
        %convert_element_type3A_144 = arith.extui %ge3A_143 : i1 to i32
        %cond3A_145 = arith.constant 0 : i32
        %cond3A_146 = arith.cmpi ne, %convert_element_type3A_144, %cond3A_145 : i32
        scf.if %cond3A_146 {
          %dma_wait3A_168 = arith.constant 0 : i32
          %dma_wait3A_169 = arith.constant 0 : i32
          %dma_wait3A_170 = arith.constant 0 : i32
          %dma_wait3A_171 = tpu.memref_slice %arg4[%dma_wait3A_168, %dma_wait3A_169, %dma_wait3A_170] : memref<4x192x16384xf32, #tpu.memory_space<hbm>> -> memref<1x1x1024xf32, #tpu.memory_space<hbm>>
          %dma_wait3A_172 = tpu.memref_squeeze %dma_wait3A_171 : memref<1x1x1024xf32, #tpu.memory_space<hbm>> -> memref<1024xf32, #tpu.memory_space<hbm>>
          %dma_wait3A_173 = arith.constant 0 : i32
          %dma_wait3A_174 = tpu.memref_slice %arg4[%dma_wait3A_168, %dma_wait3A_169, %dma_wait3A_173] : memref<4x192x16384xf32, #tpu.memory_space<hbm>> -> memref<1x1x1024xf32, #tpu.memory_space<hbm>>
          %dma_wait3A_175 = tpu.memref_squeeze %dma_wait3A_174 : memref<1x1x1024xf32, #tpu.memory_space<hbm>> -> memref<1024xf32, #tpu.memory_space<hbm>>
          tpu.wait_dma2 semaphore(%arg13 : memref<!tpu.dma_semaphore, #tpu.memory_space<semaphore_mem>>) src(%arg9 : memref<1024xf32, #tpu.memory_space<vmem>>) dst(%dma_wait3A_175 : memref<1024xf32, #tpu.memory_space<hbm>>)
        } else {
        }
        %mul3A_147 = arith.constant 2 : i32
        %mul3A_148 = arith.muli %mul3A_147, %scan3A_122 : i32
        %add3A_149 = arith.constant 1 : i32
        %add3A_150 = arith.addi %mul3A_148, %add3A_149 : i32
        %mul3A_151 = arith.constant 512 : i32
        %mul3A_152 = arith.muli %add3A_150, %mul3A_151 : i32
        %parallel_loop3A_153 = arith.constant 0 : i32
        %parallel_loop3A_154 = arith.constant 32 : i32
        %parallel_loop3A_155 = arith.constant 1 : i32
        scf.for %parallel_loop3A_168 = %parallel_loop3A_153 to %parallel_loop3A_154 step %parallel_loop3A_155  : i32 {
          %parallel_loop3A_169 = arith.constant 16 : i32
          %parallel_loop3A_170 = arith.muli %parallel_loop3A_168, %parallel_loop3A_169 : i32
          %parallel_loop3A_171 = arith.addi %mul3A_152, %parallel_loop3A_170 : i32
          %parallel_loop3A_172 = arith.index_cast %parallel_loop3A_171 : i32 to index
          %parallel_loop3A_173 = tpu.vector_load %arg7[%parallel_loop3A_172] {strides = array<i32>} : memref<8192xi32, #tpu.memory_space<vmem>>, vector<16xi32>,
          %parallel_loop3A_174 = arith.constant 65535 : i32
          %parallel_loop3A_175 = vector.broadcast %parallel_loop3A_174 : i32 to vector<16xi32>
          %parallel_loop3A_176 = arith.andi %parallel_loop3A_173, %parallel_loop3A_175 : vector<16xi32>
          %parallel_loop3A_177 = arith.constant 16 : i32
          %parallel_loop3A_178 = vector.broadcast %parallel_loop3A_177 : i32 to vector<16xi32>
          %parallel_loop3A_179 = arith.shrui %parallel_loop3A_173, %parallel_loop3A_178 : vector<16xi32>
          %parallel_loop3A_180 = arith.constant 8 : i32
          %parallel_loop3A_181 = vector.broadcast %parallel_loop3A_180 : i32 to vector<16xi32>
          %parallel_loop3A_182 = arith.shrui %parallel_loop3A_176, %parallel_loop3A_181 : vector<16xi32>
          %parallel_loop3A_183 = arith.constant 255 : i32
          %parallel_loop3A_184 = vector.broadcast %parallel_loop3A_183 : i32 to vector<16xi32>
          %parallel_loop3A_185 = arith.andi %parallel_loop3A_176, %parallel_loop3A_184 : vector<16xi32>
          %parallel_loop3A_186 = tpu.vector_load_idx %arg6[%parallel_loop3A_182, %parallel_loop3A_185] : memref<224x224xf32, #tpu.memory_space<vmem>>[vector<16xi32>, vector<16xi32>], vector<16xf32>,
          %parallel_loop3A_187 = arith.constant 8 : i32
          %parallel_loop3A_188 = vector.broadcast %parallel_loop3A_187 : i32 to vector<16xi32>
          %parallel_loop3A_189 = arith.shrui %parallel_loop3A_179, %parallel_loop3A_188 : vector<16xi32>
          %parallel_loop3A_190 = arith.constant 255 : i32
          %parallel_loop3A_191 = vector.broadcast %parallel_loop3A_190 : i32 to vector<16xi32>
          %parallel_loop3A_192 = arith.andi %parallel_loop3A_179, %parallel_loop3A_191 : vector<16xi32>
          %parallel_loop3A_193 = tpu.vector_load_idx %arg6[%parallel_loop3A_189, %parallel_loop3A_192] : memref<224x224xf32, #tpu.memory_space<vmem>>[vector<16xi32>, vector<16xi32>], vector<16xf32>,
          %parallel_loop3A_194 = arith.constant 16 : i32
          %parallel_loop3A_195 = arith.muli %parallel_loop3A_168, %parallel_loop3A_194 : i32
          %parallel_loop3A_196 = arith.index_cast %parallel_loop3A_195 : i32 to index
          %parallel_loop3A_197 = tpu.vector_load %arg9[%parallel_loop3A_196] {strides = array<i32>} : memref<1024xf32, #tpu.memory_space<vmem>>, vector<16xf32>,
          tpu.vector_store %arg9[%parallel_loop3A_196], %parallel_loop3A_186 {strides = array<i32>} : memref<1024xf32, #tpu.memory_space<vmem>>, vector<16xf32>,
          %parallel_loop3A_198 = arith.constant 16 : i32
          %parallel_loop3A_199 = arith.muli %parallel_loop3A_168, %parallel_loop3A_198 : i32
          %parallel_loop3A_200 = arith.constant 512 : i32
          %parallel_loop3A_201 = arith.addi %parallel_loop3A_200, %parallel_loop3A_199 : i32
          %parallel_loop3A_202 = arith.index_cast %parallel_loop3A_201 : i32 to index
          %parallel_loop3A_203 = tpu.vector_load %arg9[%parallel_loop3A_202] {strides = array<i32>} : memref<1024xf32, #tpu.memory_space<vmem>>, vector<16xf32>,
          tpu.vector_store %arg9[%parallel_loop3A_202], %parallel_loop3A_193 {strides = array<i32>} : memref<1024xf32, #tpu.memory_space<vmem>>, vector<16xf32>,
        } {sc.loop_unroll_factor = 2 : i64, sc.parallel_access}
        %mul3A_156 = arith.constant 2 : i32
        %mul3A_157 = arith.muli %mul3A_156, %scan3A_122 : i32
        %add3A_158 = arith.constant 1 : i32
        %add3A_159 = arith.addi %mul3A_157, %add3A_158 : i32
        %mul3A_160 = arith.constant 1024 : i32
        %mul3A_161 = arith.muli %add3A_159, %mul3A_160 : i32
        %dma_start3A_162 = tpu.memref_slice %arg4[%select_n3A, %add3A_110, %mul3A_161] : memref<4x192x16384xf32, #tpu.memory_space<hbm>> -> memref<1x1x1024xf32, #tpu.memory_space<hbm>>
        %dma_start3A_163 = tpu.memref_squeeze %dma_start3A_162 : memref<1x1x1024xf32, #tpu.memory_space<hbm>> -> memref<1024xf32, #tpu.memory_space<hbm>>
        %dma_start3A_164 = tpu.memref_slice %arg4[%select_n3A, %add3A_110, %mul3A_161] : memref<4x192x16384xf32, #tpu.memory_space<hbm>> -> memref<1x1x1024xf32, #tpu.memory_space<hbm>>
        %dma_start3A_165 = tpu.memref_squeeze %dma_start3A_164 : memref<1x1x1024xf32, #tpu.memory_space<hbm>> -> memref<1024xf32, #tpu.memory_space<hbm>>
        tpu.enqueue_dma source(%arg9 : memref<1024xf32, #tpu.memory_space<vmem>>) target(%dma_start3A_165 : memref<1024xf32, #tpu.memory_space<hbm>>) target_semaphore(%arg13 : memref<!tpu.dma_semaphore, #tpu.memory_space<semaphore_mem>>)
        %add3A_166 = arith.constant 1 : i32
        %add3A_167 = arith.addi %scan3A_123, %add3A_166 : i32
        scf.yield %add3A_167 : i32
      }
      %scan3A_116 = arith.constant 8 : i32
      %lt3A_117 = arith.constant 11 : i32
      %lt3A_118 = arith.cmpi slt, %scan3A_78, %lt3A_117 : i32
      %convert_element_type3A_119 = arith.extui %lt3A_118 : i1 to i32
      %cond3A_120 = arith.constant 0 : i32
      %cond3A_121 = arith.cmpi ne, %convert_element_type3A_119, %cond3A_120 : i32
      scf.if %cond3A_121 {
        %add3A_122 = arith.addi %mul3A_32, %mul3A_81 : i32
        %add3A_123 = arith.constant 3 : i32
        %add3A_124 = arith.addi %add3A_122, %add3A_123 : i32
        %dma_start3A_125 = arith.constant 0 : i32
        %dma_start3A_126 = arith.constant 0 : i32
        %dma_start3A_127 = tpu.memref_slice %arg2[%select_n3A, %add3A_124, %dma_start3A_125, %dma_start3A_126] : memref<4x192x224x224xf32, #tpu.memory_space<hbm>> -> memref<1x1x224x224xf32, #tpu.memory_space<hbm>>
        %dma_start3A_128 = tpu.memref_squeeze %dma_start3A_127 : memref<1x1x224x224xf32, #tpu.memory_space<hbm>> -> memref<224x224xf32, #tpu.memory_space<hbm>>
        %dma_start3A_129 = arith.constant 0 : i32
        %dma_start3A_130 = arith.constant 0 : i32
        %dma_start3A_131 = tpu.memref_slice %arg2[%select_n3A, %add3A_124, %dma_start3A_129, %dma_start3A_130] : memref<4x192x224x224xf32, #tpu.memory_space<hbm>> -> memref<1x1x224x224xf32, #tpu.memory_space<hbm>>
        %dma_start3A_132 = tpu.memref_squeeze %dma_start3A_131 : memref<1x1x224x224xf32, #tpu.memory_space<hbm>> -> memref<224x224xf32, #tpu.memory_space<hbm>>
        tpu.enqueue_dma source(%dma_start3A_132 : memref<224x224xf32, #tpu.memory_space<hbm>>) target(%arg6 : memref<224x224xf32, #tpu.memory_space<vmem>>) target_semaphore(%arg11 : memref<!tpu.dma_semaphore, #tpu.memory_space<semaphore_mem>>)
      } else {
      }
      scf.yield %scan3A_115 : i32
    }
    %scan3A_62 = arith.constant 12 : i32
    %dma_wait3A = arith.constant 0 : i32
    %dma_wait3A_63 = arith.constant 0 : i32
    %dma_wait3A_64 = arith.constant 0 : i32
    %dma_wait3A_65 = tpu.memref_slice %arg4[%dma_wait3A, %dma_wait3A_63, %dma_wait3A_64] : memref<4x192x16384xf32, #tpu.memory_space<hbm>> -> memref<1x1x1024xf32, #tpu.memory_space<hbm>>
    %dma_wait3A_66 = tpu.memref_squeeze %dma_wait3A_65 : memref<1x1x1024xf32, #tpu.memory_space<hbm>> -> memref<1024xf32, #tpu.memory_space<hbm>>
    %dma_wait3A_67 = arith.constant 0 : i32
    %dma_wait3A_68 = tpu.memref_slice %arg4[%dma_wait3A, %dma_wait3A_63, %dma_wait3A_67] : memref<4x192x16384xf32, #tpu.memory_space<hbm>> -> memref<1x1x1024xf32, #tpu.memory_space<hbm>>
    %dma_wait3A_69 = tpu.memref_squeeze %dma_wait3A_68 : memref<1x1x1024xf32, #tpu.memory_space<hbm>> -> memref<1024xf32, #tpu.memory_space<hbm>>
    tpu.wait_dma2 semaphore(%arg12 : memref<!tpu.dma_semaphore, #tpu.memory_space<semaphore_mem>>) src(%arg8 : memref<1024xf32, #tpu.memory_space<vmem>>) dst(%dma_wait3A_69 : memref<1024xf32, #tpu.memory_space<hbm>>)
    %dma_wait3A_70 = arith.constant 0 : i32
    %dma_wait3A_71 = arith.constant 0 : i32
    %dma_wait3A_72 = arith.constant 0 : i32
    %dma_wait3A_73 = tpu.memref_slice %arg4[%dma_wait3A_70, %dma_wait3A_71, %dma_wait3A_72] : memref<4x192x16384xf32, #tpu.memory_space<hbm>> -> memref<1x1x1024xf32, #tpu.memory_space<hbm>>
    %dma_wait3A_74 = tpu.memref_squeeze %dma_wait3A_73 : memref<1x1x1024xf32, #tpu.memory_space<hbm>> -> memref<1024xf32, #tpu.memory_space<hbm>>
    %dma_wait3A_75 = arith.constant 0 : i32
    %dma_wait3A_76 = tpu.memref_slice %arg4[%dma_wait3A_70, %dma_wait3A_71, %dma_wait3A_75] : memref<4x192x16384xf32, #tpu.memory_space<hbm>> -> memref<1x1x1024xf32, #tpu.memory_space<hbm>>
    %dma_wait3A_77 = tpu.memref_squeeze %dma_wait3A_76 : memref<1x1x1024xf32, #tpu.memory_space<hbm>> -> memref<1024xf32, #tpu.memory_space<hbm>>
    tpu.wait_dma2 semaphore(%arg13 : memref<!tpu.dma_semaphore, #tpu.memory_space<semaphore_mem>>) src(%arg9 : memref<1024xf32, #tpu.memory_space<vmem>>) dst(%dma_wait3A_77 : memref<1024xf32, #tpu.memory_space<hbm>>)
    return
  }
}

</mosaic_0001>

<sc_bundles>
// kernel: kernel.3.cloned.1.call-start
scs
__scs_entry_jumppad:
0x0: {  	(pc) =	sbr.rel $0x88, $3  }
0x1: {  	(tag) =	ssettag $0x0;
	lr =	simm.s32 $0x1  }
0x2: {  	[smem:$0x3F9F] =	sst lr;
	_ =	strace $0xD0000000  }
0x3: {  	_ = 	snop  }
0x4: {  	_ = 	snop  }
0x5: {  	_ = 	snop  }
0x6: {  	_ = 	snop  }
0x7: {  	_ = 	snop  }
__scs_overlays_trampoline_lowered:
0x8: {  	[smem:$0x3FAE] =	sst s0  }
0x9: {  	[smem:$0x3FAF] =	sst s1  }
0xa: {  	[smem:$0x3FB0] =	sst s2  }
0xb: {  	[smem:$0x3FB1] =	sst s3  }
0xc: {  	[smem:$0x3FB2] =	sst s4  }
0xd: {  	[smem:$0x3FB3] =	sst s5  }
0xe: {  	[smem:$0x3FB4] =	sst s6  }
0xf: {  	[smem:$0x3FB5] =	sst s7  }
0x10: {  	[smem:$0x3FB6] =	sst s8  }
0x11: {  	[smem:$0x3FB7] =	sst s9;
	s0 =	simm.s32 @!p0 $0x0  }
0x12: {  	s1 =	sld [smem:$0x3F9D];
	s0 =	simm.s32 @p0 $0x1  }
0x13: {  	[smem:$0x3FB8] =	sst s0;
	s0 =	simm.s32 @!p1 $0x0  }
0x14: {  	s2 =	sld [smem:$0x3F9C];
	s0 =	simm.s32 @p1 $0x1  }
0x15: {  	[smem:$0x3FB9] =	sst s0;
	s0 =	simm.s32 @!p2 $0x0  }
0x16: {  	s3 =	sld [smem:$0x3FDB];
	s0 =	simm.s32 @p2 $0x1  }
0x17: {  	s4 =	simm.s32 $0x1BF5;
	[smem:$0x3FBB] =	sst s0  }
0x18: {  	s0 =	sld [smem:$0x3F9E];
	_ =	swait.ge [sflag:s4], $0x0  }
0x19: {  	s7 =	sld [smem:$0x3F9F]  }
0x1a: {  	s8 =	sadd.s32 $0xFFFFE003, lr  }
0x1b: {  	s9 =	sadd.s32 $0xFFFFFEF7, lr;
	s5 =	simm.s32 $0xFFFFFFFF;
	p2 =	slt.u32 s8, $0xFFFFF086  }
0x1c: {  	p1 =	slt.u32 s9, $0xF7A;
	s5 =	simm.s32 @!p2 $0x0  }
0x1d: {  	s5 =	simm.s32 @p1 $0x1;
	p0 =	seq.s32 s7, s2  }
0x1e: {  	s7 =	smul.u32 @!p0 $0xF7A, s2;
	p2 =	seq.s32 @!p0 s5, $0x0  }
0x1f: {  	s9 =	smul.u32 $0xF7A, s1;
	s8 =	simm.s32 @!p0 $0x1BF5;
	p2 =	por !p2, p0  }
0x20: {  	[sflag:s8] =	ssyncset.s32 @!p0 $0xFFFFF086;
	s6 =	sadd.s32 @!p0 s3, s7;
	s7 =	simm.s32 @!p0 $0x108  }
0x21: {  	s3 =	sadd.s32 s3, s9;
	s6 =	sadd.s32 @!p0 $0x88, s6;
	s7 =	simm.s32 @p2 $0x1082  }
0x22: {  	[simem:s7], [sflag:s8] =	dma.local @!p0 [hbm:s6], $0xF7A  }
0x23: {  	s9 =	sor.u32 $0xD0000000, s2;
	s6 =	simm.s32 $0x108;
	_ =	swait.ge @!p0 [sflag:s8], $0x0  }
0x24: {  	s3 =	sadd.s32 $0x88, s3;
	s6 =	simm.s32 @!p1 $0x1082;
	[sflag:s4] =	ssyncset.s32 $0xFFFFF086  }
0x25: {  	[simem:s6], [sflag:s4] =	dma.local [hbm:s3], $0xF7A  }
0x26: {  	[smem:$0x3F9F] =	sst s1;
	(tag) =	ssettag s2;
	_ =	strace s9  }
0x27: {  	s1 =	sld [smem:$0x3FAF]  }
0x28: {  	s2 =	sld [smem:$0x3FB0]  }
0x29: {  	s4 =	sld [smem:$0x3FB2]  }
0x2a: {  	p0 =	seq.s32 s5, $0x0;
	s5 =	sld [smem:$0x3FB3]  }
0x2b: {  	s6 =	sld [smem:$0x3FB4]  }
0x2c: {  	s7 =	sld [smem:$0x3FB5]  }
0x2d: {  	s3 =	simm.s32 $0x108;
	s8 =	sld [smem:$0x3FB6]  }
0x2e: {  	s3 =	simm.s32 @!p0 $0x1082;
	s9 =	sld [smem:$0x3FB7]  }
0x2f: {  	lr =	sadd.s32 s0, s3;
	s0 =	sld [smem:$0x3FAE]  }
0x30: {  	s3 =	sld [smem:$0x3FB1]  }
0x31: {  	[smem:$0x3FBA] =	sst s10  }
0x32: {  	s10 =	sld [smem:$0x3FB8];
	_ =	sdelay $0x3  }
0x33: {  	p0 =	seq.s32 s10, $0x1;
	s10 =	sld [smem:$0x3FBA];
	_ =	sdelay $0x3  }
0x34: {  	[smem:$0x3FBA] =	sst s10  }
0x35: {  	s10 =	sld [smem:$0x3FB9];
	_ =	sdelay $0x3  }
0x36: {  	p1 =	seq.s32 s10, $0x1;
	s10 =	sld [smem:$0x3FBA];
	_ =	sdelay $0x3  }
0x37: {  	[smem:$0x3FBA] =	sst s10  }
0x38: {  	s10 =	sld [smem:$0x3FBB]  }
0x39: {  	_ = 	snop;
	(pc) =	sbr.ind lr, $3  }
0x3a: {  	_ = 	snop  }
0x3b: {  	_ = 	snop  }
0x3c: {  	p2 =	seq.s32 s10, $0x1;
	s10 =	sld [smem:$0x3FBA]  }
0x3d: {  	_ =	shalt  }
0x3e: {  	_ =	shalt  }
0x3f: {  	_ =	shalt  }
0x40: {  	_ =	shalt  }
0x41: {  	_ =	shalt  }
0x42: {  	_ =	shalt  }
0x43: {  	_ =	shalt  }
0x44: {  	_ =	shalt  }
0x45: {  	_ =	shalt  }
0x46: {  	_ =	shalt  }
0x47: {  	_ =	shalt  }
0x48: {  	_ =	shalt  }
0x49: {  	_ =	shalt  }
0x4a: {  	_ =	shalt  }
0x4b: {  	_ =	shalt  }
0x4c: {  	_ =	shalt  }
0x4d: {  	_ =	shalt  }
0x4e: {  	_ =	shalt  }
0x4f: {  	_ =	shalt  }
0x50: {  	_ =	shalt  }
0x51: {  	_ =	shalt  }
0x52: {  	_ =	shalt  }
0x53: {  	_ =	shalt  }
0x54: {  	_ =	shalt  }
0x55: {  	_ =	shalt  }
0x56: {  	_ =	shalt  }
0x57: {  	_ =	shalt  }
0x58: {  	_ =	shalt  }
0x59: {  	_ =	shalt  }
0x5a: {  	_ =	shalt  }
0x5b: {  	_ =	shalt  }
0x5c: {  	_ =	shalt  }
0x5d: {  	_ =	shalt  }
0x5e: {  	_ =	shalt  }
0x5f: {  	_ =	shalt  }
0x60: {  	_ =	shalt  }
0x61: {  	_ =	shalt  }
0x62: {  	_ =	shalt  }
0x63: {  	_ =	shalt  }
0x64: {  	_ =	shalt  }
0x65: {  	_ =	shalt  }
0x66: {  	_ =	shalt  }
0x67: {  	_ =	shalt  }
0x68: {  	_ =	shalt  }
0x69: {  	_ =	shalt  }
0x6a: {  	_ =	shalt  }
0x6b: {  	_ =	shalt  }
0x6c: {  	_ =	shalt  }
0x6d: {  	_ =	shalt  }
0x6e: {  	_ =	shalt  }
0x6f: {  	_ =	shalt  }
0x70: {  	_ =	shalt  }
0x71: {  	_ =	shalt  }
0x72: {  	_ =	shalt  }
0x73: {  	_ =	shalt  }
0x74: {  	_ =	shalt  }
0x75: {  	_ =	shalt  }
0x76: {  	_ =	shalt  }
0x77: {  	_ =	shalt  }
0x78: {  	_ =	shalt  }
0x79: {  	_ =	shalt  }
0x7a: {  	_ =	shalt  }
0x7b: {  	_ =	shalt  }
0x7c: {  	_ =	shalt  }
0x7d: {  	_ =	shalt  }
0x7e: {  	_ =	shalt  }
0x7f: {  	_ =	shalt  }
0x80: {  	_ =	shalt  }
0x81: {  	_ =	shalt  }
0x82: {  	_ =	shalt  }
0x83: {  	_ =	shalt  }
0x84: {  	_ =	shalt  }
0x85: {  	_ =	shalt  }
0x86: {  	_ =	shalt  }
0x87: {  	_ =	shalt  }
.Lfunc_end0:
.L_simem_size_0:
called_computation_lowered:
.L_overlay_start_0:
0x88: {  	s2 =	sld [smem:$0x3FD9]  }
0x89: {  	s3 =	sld [smem:$0x3FFE];
	_ =	sdelay $0x1  }
0x8a: {  	s1 =	srdreg.scid  }
0x8b: {  	s0 =	sand.u32 $0x1, s1  }
0x8c: {  	s18 =	sshll.u32 s0, $0xA;
	s2 =	sadd.s32 s3, s2  }
0x8d: {  	s2 =	sadd.s32 s2, s18  }
0x8e: {  	[smem:$0x3FC6] =	sst s2  }
0x8f: {  	_ = 	snop  }
0x90: {  	s2 =	sld [smem:$0x3FC9]  }
0x91: {  	s19 =	sld [smem:$0x3FC8]  }
0x92: {  	s4 =	sld [smem:$0x3FD0];
	(tm) =	ssettm $0x1  }
0x93: {  	s5 =	sld [smem:$0x3FFB];
	_ =	sdelay $0x3  }
0x94: {  	_ =	strace s5  }
0x95: {  	s5 =	sld [smem:$0x3FFC];
	_ =	sdelay $0x3  }
0x96: {  	_ =	strace s5  }
0x97: {  	s5 =	sld [smem:$0x3FFD];
	_ =	sdelay $0x3  }
0x98: {  	_ =	strace s5  }
0x99: {  	_ =	strace $0x8FFFFFFF  }
0x9a: {  	s20 =	sld [smem:$0x3FDB];
	_ =	sdelay $0x1  }
0x9b: {  	s6 =	simm.s32 $_scs_section_size  }
0x9c: {  	s7 =	simm.s32 $_size__tile_overlayer_lowered;
	s8 =	simm.s32 $_tile_overlayer_lowered  }
0x9d: {  	s23 =	simm.s32 $0x1BFF;
	s22 =	sshll.u32 s8, $0x1;
	s5 =	sadd.s32 s6, s20  }
0x9e: {  	s9 =	simm.s32 $0x0;
	s21 =	sshll.u32 s7, $0x1;
	s7 =	sadd.s32 s22, s5  }
0x9f: {  	[timem:s9], [sflag:s23] =	dma.local [hbm:s7], s21  }
0xa0: {  	_ =	swait.ge [sflag:s23], s21  }
0xa1: {  	s6 =	ssub.s32 $0x0, s21;
	[sflag:s23] =	ssyncset.done $0x0  }
0xa2: {  	[sflag:s23] =	ssyncadd.s32 s6;
	_ =	sdelay $0x1  }
0xa3: {  	s24 =	simm.s32 $0x1B8B  }
0xa4: {  	_ =	swait.ge [sflag:s24], $0x1  }
0xa5: {  	[sflag:s24] =	ssyncset.done $0x0  }
0xa6: {  	s25 =	simm.s32 $0x1B8E;
	[sflag:s24] =	ssyncadd.s32 $0xFFFFFFFF  }
0xa7: {  	s26 =	simm.s32 $execute0_lowered;
	[smem:$0x3FD2] =	sst s25  }
0xa8: {  	s6 =	sshll.u32 s26, $0x1;
	_ =	strace $0x80000046;
	[dreg:$0x1] =	wrdreg $0xFFFFFFFF  }
0xa9: {  	s28 =	simm.s32 $_size_execute0_lowered;
	s5 =	sadd.s32 s5, s6;
	[dreg:$0x0] =	wrdreg $0x0  }
0xaa: {  	s6 =	sshll.u32 s28, $0x1;
	[dreg:$0x2] =	wrdreg s5  }
0xab: {  	[dreg:$0x3] =	wrdreg s6  }
0xac: {  	[dreg:$0x4] =	wrdreg $0xC0  }
0xad: {  	_ =	task [dreg:s9], $0x5FFFF  }
0xae: {  	[dreg:$0x1] =	wrdreg $0xFFFFFFFF  }
0xaf: {  	[dreg:$0x0] =	wrdreg $0x60  }
0xb0: {  	[dreg:$0x2] =	wrdreg s2  }
0xb1: {  	[dreg:$0x3] =	wrdreg s19  }
0xb2: {  	[dreg:$0x4] =	wrdreg s4  }
0xb3: {  	[dreg:$0x5] =	wrdreg $0x9  }
0xb4: {  	_ =	task.clear_ibuf [dreg:s9], $0x6FFFF;
	_ =	strace $0x90000046  }
0xb5: {  	s29 =	simm.s32 $0x9;
	_ =	strace $0x80000048  }
0xb6: {  	_ =	swait.ge [sflag:s29], $0x1  }
0xb7: {  	[sflag:s29] =	ssyncadd.s32 $0xFFFFFFFF  }
0xb8: {  	_ =	strace $0x90000048  }
0xb9: {  	_ =	sfence  }
0xba: {  	s30 =	sld [smem:$0x0];
	_ =	sdelay $0x2  }
0xbb: {  	s31 =	sshll.u32 s1, $0xD;
	s1 =	sshrl.u32 s1, $0x2  }
0xbc: {  	s3 =	sand.u32 $0x4000, s31;
	s1 =	sadd.s32 s1, s30  }
0xbd: {  	s0 =	sor.u32 s3, s0;
	s1 =	sshll.u32 s1, $0x11  }
0xbe: {  	s0 =	sor.u32 s1, s0  }
0xbf: {  	s0 =	sadd.s32 $0x8F2B, s0  }
0xc0: {  	[sflag:s0] =	ssyncadd.remote.s32 $0x1  }
0xc1: {  	_ =	sfence.sel $0xFFFF  }
0xc2: {  	[dreg:$0x0] =	wrdreg $0xFFFFFFFF;
	(pc) =	sbr.abs _section_cstart, $3  }
0xc3: {  	[dreg:$0x1] =	wrdreg $0xFFFFFFFF  }
0xc4: {  	_ =	task.clear_ibuf [dreg:s9], $0x2FFFF;
	_ =	strace $0x9FFFFFFF  }
0xc5: {  	(tm) =	ssettm $0x7FFFFFFF  }
tec
execute0_lowered:
.L_overlay_start_1:
0x0: {  	(tag) =	ssettag $0x1  }
0x1: {  	s9 =	rddreg [dreg:$0x0]  }
0x2: {  	s2 =	stileid.u32;
	s10 =	rddreg [dreg:$0x1]  }
0x3: {  	s0 =	srdreg.scid;
	s4 =	rddreg [dreg:$0x2]  }
0x4: {  	s5 =	simm.s32 $0x0;
	s15 =	simm.s32 $0xE000;
	s16 =	simm.s32 $0x80  }
0x5: {  	s17 =	simm.s32 $0x100;
	s18 =	simm.s32 $0x1E000;
	s19 =	simm.s32 $0x5  }
0x6: {  	s20 =	simm.s32 $0x1E400;
	s1 =	sshll.u32 s2, $0x1;
	s2 =	sshrl.u32 s2, $0x2  }
0x7: {  	s0 =	sand.u32 $0x1, s0;
	s1 =	sand.u32 $0x6, s1;
	s3 =	smul.u32 $0xA80000, s2  }
0x8: {  	[smem:$0x7FF] =	sst s5;
	s30 =	smul.u32 $0x300000, s2;
	s1 =	sor.u32 s0, s1  }
0x9: {  	_ =	strace $0x80000047;
	s0 =	ssub.s32 $0x2, s0;
	s6 =	smul.u32 $0x150000, s1  }
0xa: {  	s1 =	smul.u32 $0x18, s1;
	[dreg:$0x9] =	wrdreg s30;
	s31 =	sor.u32 $0x2A000, s3  }
0xb: {  	s21 =	simm.s32 $0x1;
	s7 =	sshrl.u32 s0, $0x1;
	[dreg:$0xa] =	wrdreg s31  }
0xc: {  	s0 =	ssub.s32 s0, s7;
	s6 =	sadd.s32 s3, s6;
	[dreg:$0x4] =	wrdreg s1  }
0xd: {  	s0 =	smax.u32 s0, $0x1;
	s8 =	sor.u32 $0xE000, s6;
	s26 =	sshrl.u32 s6, $0x3  }
.Ltmp0:
0xe: {  	s6 =	sshll.u32 s2, $0xC;
	[dreg:$0xb] =	wrdreg s0;
	(pc) =	sbr.rel .LBB2_1-.Ltmp0, $4  }
0xf: {  	s8 =	sshrl.u32 s8, $0x3;
	s28 =	sadd.s32 s9, s26;
	[dreg:$0x7] =	wrdreg s6  }
0x10: {  	s22 =	simm.s32 $0x400;
	[dreg:$0x5] =	wrdreg s28;
	s29 =	sadd.s32 s9, s8  }
0x11: {  	s23 =	simm.s32 $0x2;
	s9 =	sadd.s32 $0x10, s10;
	[dreg:$0x6] =	wrdreg s29  }
0x12: {  	s12 =	sor.u32 $0x1C000, s3;
	s2 =	simm.s32 $0x0;
	[dreg:$0x8] =	wrdreg s9  }
.LBB2_20:
0x13: {  	s0 =	simm.s32 $0x3  }
0x14: {  	_ =	swait.ge [sflag:s0], $0x400  }
0x15: {  	[sflag:s0] =	ssyncset.done $0x0  }
0x16: {  	s1 =	simm.s32 $0x4;
	[sflag:s0] =	ssyncadd.s32 $0xFFFFFC00  }
0x17: {  	_ =	swait.ge [sflag:s1], $0x400  }
0x18: {  	s2 =	rddreg [dreg:$0xc]  }
0x19: {  	s31 =	rddreg [dreg:$0xb];
	s2 =	sadd.s32 $0x1, s2  }
0x1a: {  	p0 =	sne.s32 s2, s31  }
.Ltmp1:
0x1b: {  	_ = 	snop;
	(pc) =	sbr.rel @!p0 .LBB2_21-.Ltmp1, $4  }
0x1c: {  	_ = 	snop  }
0x1d: {  	[sflag:s1] =	ssyncset.done $0x0;
	s6 =	rddreg [dreg:$0x7]  }
0x1e: {  	s9 =	rddreg [dreg:$0x8];
	[sflag:s1] =	ssyncadd.s32 $0xFFFFFC00  }
0x1f: {  	s10 =	rddreg [dreg:$0x1]  }
.LBB2_1:
0x20: {  	[dreg:$0xc] =	wrdreg s2  }
0x21: {  	s0 =	rddreg [dreg:$0x5]  }
0x22: {  	[tilespmem:s5], [sflag:$0x1] =	stream.linear.gather [hbm4b:s0+s5], $0xE000, $0x38;
	[tilespmem:$0x1E800] =	vst v63  }
0x23: {  	s31 =	rddreg [dreg:$0x6];
	s0 =	simm.s32 $0x0  }
0x24: {  	[tilespmem:s15], [sflag:$0x2] =	stream.linear.gather [hbm4b:s31+s5], $0xE000, $0x38;
	[tilespmem:$0x1E800] =	vst v63  }
.LBB2_2:
0x25: {  	s1 =	sshll.u32 s0, $0x8  }
0x26: {  	s1 =	sadd.s32 s6, s1  }
0x27: {  	s2 =	sadd.s32 s10, s1  }
0x28: {  	[tilespmem:s18], [sflag:$0x5] =	stream.strided.gather [hbm4b:s2+s16], $0x400, s17, s16, $0x38;
	[tilespmem:$0x1E800] =	vst v63  }
0x29: {  	_ =	swait.ge [sflag:s19], $0x400  }
0x2a: {  	[sflag:s19] =	ssyncset.done $0x0  }
0x2b: {  	s1 =	sadd.s32 s1, s9;
	[sflag:s19] =	ssyncadd.s32 $0xFFFFFC00  }
0x2c: {  	[tilespmem:s20], [sflag:$0x5] =	stream.strided.gather [hbm4b:s1+s16], $0x400, s17, s16, $0x38;
	[tilespmem:$0x1E800] =	vst v63  }
0x2d: {  	_ =	swait.ge [sflag:s19], $0x400  }
0x2e: {  	[sflag:s19] =	ssyncset.done $0x0  }
0x2f: {  	s29 =	simm.s32 $0x1E610;
	[sflag:s19] =	ssyncadd.s32 $0xFFFFFC00  }
0x30: {  	s2 =	simm.s32 $0x1E210;
	v0 =	vld [tilespmem:s29+$0x0]  }
0x31: {  	v1 =	vld [tilespmem:s2+$0xFFFFFE00]  }
0x32: {  	v2 =	vld [tilespmem:s29+$0xFFFFFE00]  }
0x33: {  	v3 =	vld [tilespmem:s2+$0x0]  }
0x34: {  	v4 =	vld [tilespmem:s2+$0xFFFFFFF0]  }
0x35: {  	v5 =	vld [tilespmem:s29+$0xFFFFFDF0];
	_ =	sdelay $0x2  }
0x36: {  	v2 =	vmul.f32 $2.230000000e+02, v2;
	v0 =	vmul.f32 $2.230000000e+02, v0  }
0x37: {  	v1 =	vmul.f32 $2.230000000e+02, v1;
	v3 =	vmul.f32 $2.230000000e+02, v3  }
0x38: {  	v4 =	vmul.f32 $2.230000000e+02, v4;
	v5 =	vmul.f32 $2.230000000e+02, v5;
	v0 =	vmax.f32 v0, $0.0e+00  }
0x39: {  	v2 =	vmax.f32 v2, $0.0e+00;
	v1 =	vmax.f32 v1, $0.0e+00;
	v3 =	vmax.f32 v3, $0.0e+00  }
0x3a: {  	v2 =	vmin.f32 v2, $2.240000000e+02;
	v1 =	vmin.f32 v1, $2.240000000e+02;
	v0 =	vmin.f32 v0, $2.240000000e+02  }
0x3b: {  	v3 =	vmin.f32 v3, $2.240000000e+02;
	v2 =	vtrunc.f32 v2;
	v0 =	vtrunc.f32 v0  }
0x3c: {  	v1 =	vtrunc.f32 v1;
	v3 =	vtrunc.f32 v3  }
0x3d: {  	v0 =	vcvt.f32.s32 v0;
	v3 =	vcvt.f32.s32 v3  }
0x3e: {  	v6 =	vld [tilespmem:s2+$0xFFFFFDF0];
	v4 =	vmax.f32 v4, $0.0e+00;
	v2 =	vcvt.f32.s32 v2;
	v1 =	vcvt.f32.s32 v1  }
0x3f: {  	v7 =	vld [tilespmem:s29+$0xFFFFFFF0];
	v4 =	vmin.f32 v4, $2.240000000e+02;
	vm0 =	vlt.s32 v0, $0xDF;
	vm1 =	vlt.s32 v3, $0xDF  }
0x40: {  	s30 =	sshll.u32 s0, $0x9;
	vm2 =	vlt.s32 v2, $0xDF;
	vm3 =	vlt.s32 v1, $0xDF;
	v3 =	vnsel vm1, $0xDF, v3  }
0x41: {  	s3 =	simm.s32 $0x0;
	s1 =	sand.u32 $0x3FFFFE00, s30;
	v2 =	vnsel vm2, $0xDF, v2;
	v1 =	vnsel vm3, $0xDF, v1;
	v3 =	vshll.u32 v3, $0x10  }
0x42: {  	s8 =	simm.s32 $0x10;
	s31 =	sand.u32 $0x180, s3;
	s7 =	sadd.s32 $0x1C000, s1;
	v0 =	vnsel vm0, $0xDF, v0;
	v2 =	vshll.u32 v2, $0x8;
	v1 =	vor.u32 v1, v3  }
0x43: {  	s13 =	sand.u32 $0x70, s8;
	s1 =	sadd.s32 s31, s7;
	v63 =	vshll.u32 v0, $0x18;
	v3 =	vmul.f32 $2.230000000e+02, v6;
	v1 =	vor.u32 v2, v1  }
0x44: {  	s3 =	sand.u32 $0x60, s3;
	s13 =	sadd.s32 s13, s1;
	v0 =	vmul.f32 $2.230000000e+02, v7;
	v2 =	vmax.f32 v5, $0.0e+00;
	v5 =	vor.u32 v63, v1  }
0x45: {  	s24 =	simm.s32 $0x0;
	s14 =	sadd.s32 s3, s1;
	s3 =	simm.s32 $0x1E630;
	v1 =	vmin.f32 v2, $2.240000000e+02;
	v3 =	vmax.f32 v3, $0.0e+00;
	v2 =	vtrunc.f32 v4;
	[tilespmem:s13+$0x0] =	vst v5  }
.LBB2_3:
0x46: {  	v4 =	vld [tilespmem:s3+$0x0];
	v3 =	vmin.f32 v3, $2.240000000e+02;
	v0 =	vmax.f32 v0, $0.0e+00;
	v2 =	vcvt.f32.s32 v2;
	s2 =	sadd.s32 $0x20, s2  }
0x47: {  	v1 =	vtrunc.f32 v1;
	v5 =	vld [tilespmem:s2+$0xFFFFFE00];
	v3 =	vtrunc.f32 v3;
	v0 =	vmin.f32 v0, $2.240000000e+02  }
0x48: {  	v1 =	vcvt.f32.s32 v1;
	v6 =	vld [tilespmem:s3+$0xFFFFFE00];
	v3 =	vcvt.f32.s32 v3;
	vm0 =	vlt.s32 v2, $0xDF  }
0x49: {  	v0 =	vtrunc.f32 v0;
	v7 =	vld [tilespmem:s2+$0x0];
	v2 =	vnsel vm0, $0xDF, v2  }
0x4a: {  	s24 =	sadd.s32 $0x2, s24;
	vm0 =	vlt.s32 v1, $0xDF;
	v0 =	vcvt.f32.s32 v0;
	v8 =	vld [tilespmem:s2+$0xFFFFFFF0];
	vm1 =	vlt.s32 v3, $0xDF  }
0x4b: {  	p0 =	slt.u32 s24, $0x1E;
	v1 =	vnsel vm0, $0xDF, v1;
	v2 =	vshll.u32 v2, $0x10;
	v9 =	vld [tilespmem:s2+$0xFFFFFDF0];
	v3 =	vnsel vm1, $0xDF, v3  }
0x4c: {  	v1 =	vshll.u32 v1, $0x8;
	vm0 =	vlt.s32 v0, $0xDF;
	v10 =	vld [tilespmem:s3+$0xFFFFFDF0];
	v2 =	vor.u32 v3, v2  }
0x4d: {  	v4 =	vmul.f32 $2.230000000e+02, v4;
	v0 =	vnsel vm0, $0xDF, v0;
	v3 =	vld [tilespmem:s3+$0xFFFFFFF0];
	v6 =	vmul.f32 $2.230000000e+02, v6  }
0x4e: {  	v5 =	vmul.f32 $2.230000000e+02, v5;
	v1 =	vor.u32 v1, v2;
	v7 =	vmul.f32 $2.230000000e+02, v7  }
0x4f: {  	v4 =	vmax.f32 v4, $0.0e+00;
	v0 =	vshll.u32 v0, $0x18;
	v2 =	vmul.f32 $2.230000000e+02, v8  }
0x50: {  	v5 =	vmax.f32 v5, $0.0e+00;
	v6 =	vmax.f32 v6, $0.0e+00;
	v7 =	vmax.f32 v7, $0.0e+00  }
0x51: {  	v4 =	vmin.f32 v4, $2.240000000e+02;
	v5 =	vmin.f32 v5, $2.240000000e+02;
	v6 =	vmin.f32 v6, $2.240000000e+02  }
0x52: {  	v4 =	vtrunc.f32 v4;
	v6 =	vtrunc.f32 v6;
	v7 =	vmin.f32 v7, $2.240000000e+02  }
0x53: {  	v5 =	vtrunc.f32 v5;
	v2 =	vmax.f32 v2, $0.0e+00;
	v7 =	vtrunc.f32 v7  }
0x54: {  	v4 =	vcvt.f32.s32 v4;
	v2 =	vmin.f32 v2, $2.240000000e+02;
	v7 =	vcvt.f32.s32 v7  }
0x55: {  	v0 =	vor.u32 v0, v1;
	v5 =	vcvt.f32.s32 v5;
	v6 =	vcvt.f32.s32 v6  }
0x56: {  	v1 =	vmul.f32 $2.230000000e+02, v10;
	vm0 =	vlt.s32 v4, $0xDF;
	vm1 =	vlt.s32 v7, $0xDF;
	[tilespmem:s14+$0x0] =	vst v0  }
0x57: {  	s8 =	sadd.s32 $0x20, s8;
	vm3 =	vlt.s32 v5, $0xDF;
	vm2 =	vlt.s32 v6, $0xDF;
	v0 =	vnsel vm1, $0xDF, v7  }
.Ltmp2:
0x58: {  	s1 =	sadd.s32 $0xFFFFFFF0, s8;
	v5 =	vnsel vm3, $0xDF, v5;
	v6 =	vnsel vm2, $0xDF, v6;
	v0 =	vshll.u32 v0, $0x10;
	(pc) =	sbr.rel @p0 .LBB2_3-.Ltmp2, $4  }
0x59: {  	s13 =	sand.u32 $0x180, s1;
	s1 =	sand.u32 $0x60, s1;
	v4 =	vnsel vm0, $0xDF, v4;
	v6 =	vshll.u32 v6, $0x8;
	v0 =	vor.u32 v5, v0  }
0x5a: {  	s25 =	sand.u32 $0x70, s8;
	s13 =	sadd.s32 s13, s7;
	v4 =	vshll.u32 v4, $0x18;
	v5 =	vmul.f32 $2.230000000e+02, v9;
	v6 =	vor.u32 v6, v0  }
0x5b: {  	v1 =	vmax.f32 v1, $0.0e+00;
	s14 =	sadd.s32 s1, s13;
	s1 =	sadd.s32 s25, s13;
	v0 =	vmul.f32 $2.230000000e+02, v3;
	v4 =	vor.u32 v4, v6  }
0x5c: {  	s3 =	sadd.s32 $0x20, s3;
	v2 =	vtrunc.f32 v2;
	v1 =	vmin.f32 v1, $2.240000000e+02;
	v3 =	vmax.f32 v5, $0.0e+00;
	[tilespmem:s1+$0x0] =	vst v4  }
0x5d: {  	v3 =	vmin.f32 v3, $2.240000000e+02  }
0x5e: {  	v0 =	vmax.f32 v0, $0.0e+00;
	v2 =	vcvt.f32.s32 v2;
	v1 =	vtrunc.f32 v1  }
0x5f: {  	v3 =	vtrunc.f32 v3;
	v0 =	vmin.f32 v0, $2.240000000e+02;
	v1 =	vcvt.f32.s32 v1  }
0x60: {  	v3 =	vcvt.f32.s32 v3;
	v0 =	vtrunc.f32 v0  }
0x61: {  	s0 =	sadd.s32 $0x1, s0;
	vm0 =	vlt.s32 v2, $0xDF;
	vm1 =	vlt.s32 v1, $0xDF;
	v0 =	vcvt.f32.s32 v0  }
0x62: {  	p0 =	sne.s32 s0, $0x10;
	v2 =	vnsel vm0, $0xDF, v2;
	vm14 =	vlt.s32 v3, $0xDF;
	v1 =	vnsel vm1, $0xDF, v1  }
.Ltmp3:
0x63: {  	v2 =	vshll.u32 v2, $0x10;
	v3 =	vnsel vm14, $0xDF, v3;
	vm15 =	vlt.s32 v0, $0xDF;
	(pc) =	sbr.rel @p0 .LBB2_2-.Ltmp3, $4  }
0x64: {  	v1 =	vshll.u32 v1, $0x8;
	v2 =	vor.u32 v3, v2;
	v0 =	vnsel vm15, $0xDF, v0  }
0x65: {  	v1 =	vor.u32 v1, v2;
	v0 =	vshll.u32 v0, $0x18  }
0x66: {  	v0 =	vor.u32 v0, v1  }
0x67: {  	s7 =	simm.s32 $0x0;
	[tilespmem:s14+$0x0] =	vst v0  }
0x68: {  	s29 =	simm.s32 $0x0  }
.LBB2_6:
0x69: {  	s0 =	sshll.u32 s29, $0x1;
	s1 =	rddreg [dreg:$0x4]  }
0x6a: {  	s30 =	sadd.s32 s1, s0  }
0x6b: {  	_ =	swait.ge [sflag:s21], $0xE000;
	s26 =	sshll.u32 s29, $0x8;
	s0 =	sshll.u32 s30, $0xE  }
0x6c: {  	s28 =	smov.u32 s7;
	s2 =	rddreg [dreg:$0x9];
	s0 =	sand.u32 $0x7E0000, s0  }
0x6d: {  	[sflag:s21] =	ssyncset.done $0x0;
	s31 =	sadd.s32 s2, s0;
	s2 =	sand.u32 $0x300, s26  }
0x6e: {  	s8 =	simm.s32 $0x0;
	[sflag:s21] =	ssyncadd.s32 $0xFFFF2000;
	s0 =	sor.u32 s2, s31  }
.LBB2_7:
0x6f: {  	p0 =	slt.s32 s28, $0x1;
	s3 =	sshll.u32 s8, $0xA;
	s13 =	simm.s32 $0x0  }
0x70: {  	s11 =	simm.s32 $0x10;
	s1 =	simm.s32 @!p0 $0x3;
	s3 =	sand.u32 $0x3FFFFC00, s3  }
0x71: {  	s24 =	sand.u32 $0x180, s13;
	_ =	swait.ge @!p0 [sflag:s1], $0x400;
	s14 =	sadd.s32 $0x1C000, s3  }
0x72: {  	s3 =	sand.u32 $0x70, s11;
	[sflag:s1] =	ssyncset.done @!p0 $0x0;
	s25 =	sadd.s32 s24, s14  }
0x73: {  	[sflag:s1] =	ssyncadd.s32 @!p0 $0xFFFFFC00;
	s26 =	sadd.s32 s3, s25  }
0x74: {  	s3 =	sand.u32 $0x60, s13;
	v2 =	vld [tilespmem:s26+$0x0]  }
0x75: {  	s6 =	sadd.s32 s3, s25  }
0x76: {  	v0 =	vld [tilespmem:s6+$0x0];
	_ =	sdelay $0x2  }
0x77: {  	v1 =	vshrl.u32 v2, $0x10  }
0x78: {  	v3 =	vshrl.u32 v2, $0xD;
	v5 =	vshrl.u32 v2, $0x11;
	v9 =	vshll.u32 v2, $0x3  }
0x79: {  	s9 =	simm.s32 $0x20;
	v4 =	vand.u32 $0xF800, v1;
	v3 =	vand.u32 $0x400, v3;
	v6 =	vshrl.u32 v0, $0x10  }
0x7a: {  	s10 =	simm.s32 $0x30;
	s6 =	sand.u32 $0x180, s9;
	v1 =	vand.u32 $0x7F, v1;
	v3 =	vor.u32 v3, v4;
	v4 =	vand.u32 $0x380, v5  }
0x7b: {  	s13 =	sand.u32 $0x70, s10;
	s11 =	sadd.s32 s6, s14;
	v5 =	vshrl.u32 v0, $0xD;
	v3 =	vor.u32 v4, v3;
	v4 =	vand.u32 $0xF800, v6  }
0x7c: {  	s13 =	sadd.s32 s13, s11;
	v5 =	vand.u32 $0x400, v5;
	v3 =	vor.u32 v1, v3;
	v1 =	vshll.u32 v0, $0x3  }
0x7d: {  	v4 =	vor.u32 v5, v4;
	v5 =	vshrl.u32 v0, $0x11;
	v7 =	vand.u32 $0x400, v1;
	v1 =	vld [tilespmem:s13+$0x0]  }
0x7e: {  	v8 =	vshrl.u32 v0, $0x1;
	v10 =	vand.u32 $0xF87F, v0;
	v5 =	vand.u32 $0x380, v5  }
0x7f: {  	v4 =	vor.u32 v5, v4;
	v5 =	vand.u32 $0x400, v9;
	v9 =	vshrl.u32 v2, $0x1  }
0x80: {  	s1 =	sand.u32 $0x60, s9;
	v2 =	vand.u32 $0xF87F, v2;
	v7 =	vor.u32 v7, v10;
	v9 =	vand.u32 $0x380, v9  }
0x81: {  	s26 =	sadd.s32 s1, s11;
	v2 =	vor.u32 v5, v2;
	v5 =	vand.u32 $0x380, v8;
	v8 =	vand.u32 $0x7F, v6  }
0x82: {  	v0 =	vld [tilespmem:s26+$0x0];
	v6 =	vor.u32 v9, v2;
	v2 =	vor.u32 v5, v7;
	v5 =	vshrl.u32 v1, $0xD  }
0x83: {  	v9 =	vand.u32 $0x400, v5;
	v5 =	vld.idx.msk [tilespmem:v3+s5+$0x0], $0xffff  }
0x84: {  	v4 =	vor.u32 v8, v4  }
0x85: {  	v7 =	vshrl.u32 v1, $0x10  }
0x86: {  	s25 =	simm.s32 $0x1E000;
	s26 =	sor.u32 s3, s24;
	v10 =	vshrl.u32 v1, $0x11;
	v8 =	vand.u32 $0xF800, v7  }
0x87: {  	s3 =	simm.s32 $0x2;
	s24 =	sor.u32 s1, s6;
	s1 =	simm.s32 $0x50;
	v3 =	vshrl.u32 v0, $0x10;
	v8 =	vor.u32 v9, v8;
	v9 =	vand.u32 $0x380, v10  }
.LBB2_8:
0x88: {  	s6 =	sadd.s32 $0xFFFFFFF0, s1;
	s3 =	sadd.s32 $0x2, s3;
	v10 =	vshrl.u32 v0, $0xD;
	v7 =	vand.u32 $0x7F, v7;
	v8 =	vor.u32 v9, v8;
	v6 =	vld.idx.msk [tilespmem:v6+s5+$0x0], $0xffff;
	[tilespmem:s25+$0x210] =	vst v5  }
0x89: {  	v5 =	vand.u32 $0xF800, v3;
	s13 =	sand.u32 $0x180, s6;
	s6 =	sand.u32 $0x60, s6;
	p1 =	slt.u32 s3, $0x1E;
	v9 =	vand.u32 $0x400, v10;
	v7 =	vor.u32 v7, v8;
	v8 =	vld.idx.msk [tilespmem:v4+s5+$0x0], $0xffff  }
0x8a: {  	s10 =	sand.u32 $0x70, s1;
	v4 =	vshll.u32 v0, $0x3;
	s9 =	sadd.s32 s13, s14;
	s13 =	sor.u32 s6, s13;
	v5 =	vor.u32 v9, v5;
	v9 =	vshrl.u32 v0, $0x11;
	v10 =	vld.idx.msk [tilespmem:v2+s5+$0x0], $0xffff  }
0x8b: {  	v2 =	vand.u32 $0x400, v4;
	v4 =	vshrl.u32 v0, $0x1;
	s6 =	sadd.s32 s6, s9;
	s9 =	sadd.s32 s10, s9;
	v9 =	vand.u32 $0x380, v9  }
0x8c: {  	v12 =	vand.u32 $0xF87F, v0;
	v11 =	vld [tilespmem:s9+$0x0];
	v9 =	vor.u32 v9, v5;
	v5 =	vshll.u32 v1, $0x3  }
0x8d: {  	v13 =	vshrl.u32 v1, $0x1;
	v1 =	vand.u32 $0xF87F, v1;
	v0 =	vld [tilespmem:s6+$0x0];
	v5 =	vand.u32 $0x400, v5  }
0x8e: {  	v2 =	vor.u32 v2, v12;
	v12 =	vand.u32 $0x380, v13;
	v1 =	vor.u32 v5, v1;
	v5 =	vld.idx.msk [tilespmem:v7+s5+$0x0], $0xffff;
	[tilespmem:s25+$0x10] =	vst v6  }
.Ltmp4:
0x8f: {  	v3 =	vand.u32 $0x7F, v3;
	v4 =	vand.u32 $0x380, v4;
	v6 =	vor.u32 v12, v1;
	(pc) =	sbr.rel @p1 .LBB2_8-.Ltmp4, $4  }
0x90: {  	v2 =	vor.u32 v4, v2;
	v4 =	vor.u32 v3, v9;
	[tilespmem:s25+$0x0] =	vst v10  }
0x91: {  	v7 =	vshrl.u32 v11, $0x10;
	v3 =	vshrl.u32 v11, $0xD;
	[tilespmem:s26+$0x1E200] =	vst v8;
	v1 =	vmov v11;
	s26 =	smov.u32 s24;
	s24 =	smov.u32 s13  }
0x92: {  	v8 =	vand.u32 $0xF800, v7;
	v9 =	vand.u32 $0x400, v3;
	v10 =	vshrl.u32 v1, $0x11  }
0x93: {  	s1 =	sadd.s32 $0x20, s1;
	s25 =	sadd.s32 $0x20, s25;
	v3 =	vshrl.u32 v0, $0x10;
	v8 =	vor.u32 v9, v8;
	v9 =	vand.u32 $0x380, v10  }
0x94: {  	v10 =	vshrl.u32 v0, $0xD  }
0x95: {  	v7 =	vand.u32 $0x7F, v7;
	v8 =	vor.u32 v9, v8;
	v9 =	vand.u32 $0xF800, v3  }
0x96: {  	v11 =	vand.u32 $0xF87F, v0;
	v12 =	vand.u32 $0xF87F, v1;
	v10 =	vand.u32 $0x400, v10  }
0x97: {  	v7 =	vor.u32 v7, v8;
	v8 =	vshll.u32 v0, $0x3;
	v9 =	vor.u32 v10, v9  }
0x98: {  	v8 =	vand.u32 $0x400, v8;
	v10 =	vshll.u32 v1, $0x3;
	v1 =	vshrl.u32 v1, $0x1  }
0x99: {  	v10 =	vand.u32 $0x400, v10;
	v8 =	vor.u32 v8, v11;
	v11 =	vshrl.u32 v0, $0x11  }
0x9a: {  	v0 =	vshrl.u32 v0, $0x1;
	v1 =	vand.u32 $0x380, v1;
	v10 =	vor.u32 v10, v12  }
0x9b: {  	v11 =	vand.u32 $0x380, v11;
	v0 =	vand.u32 $0x380, v0;
	v1 =	vor.u32 v1, v10  }
0x9c: {  	v6 =	vld.idx.msk [tilespmem:v6+s5+$0x0], $0xffff;
	v3 =	vand.u32 $0x7F, v3;
	v9 =	vor.u32 v11, v9;
	v0 =	vor.u32 v0, v8  }
0x9d: {  	v2 =	vld.idx.msk [tilespmem:v2+s5+$0x0], $0xffff;
	v3 =	vor.u32 v3, v9  }
0x9e: {  	v4 =	vld.idx.msk [tilespmem:v4+s5+$0x0], $0xffff  }
0x9f: {  	v7 =	vld.idx.msk [tilespmem:v7+s5+$0x0], $0xffff  }
0xa0: {  	[tilespmem:s25+$0x210] =	vst v5;
	v1 =	vld.idx.msk [tilespmem:v1+s5+$0x0], $0xffff  }
0xa1: {  	[tilespmem:s25+$0x10] =	vst v6;
	v0 =	vld.idx.msk [tilespmem:v0+s5+$0x0], $0xffff  }
0xa2: {  	[tilespmem:s25+$0x0] =	vst v2;
	v2 =	vld.idx.msk [tilespmem:v3+s5+$0x0], $0xffff  }
0xa3: {  	s1 =	sadd.s32 $0x20, s25;
	s3 =	sshll.u32 s8, $0xE;
	[tilespmem:s26+$0x1E200] =	vst v4  }
0xa4: {  	s3 =	sadd.s32 s0, s3;
	[tilespmem:s1+$0x210] =	vst v7  }
0xa5: {  	s14 =	sshrl.u32 s3, $0x3;
	[tilespmem:s1+$0x10] =	vst v1  }
0xa6: {  	[tilespmem:s1+$0x0] =	vst v0;
	s1 =	sadd.s32 s4, s14;
	s14 =	sshllo.u32 s8, $0x1  }
0xa7: {  	s6 =	simm.s32 $0x0;
	[tilespmem:s24+$0x1E200] =	vst v2;
	s24 =	sshll.u32 s14, $0x9  }
0xa8: {  	[hbm4b:s1+s16] =	stream.strided.scatter [tilespmem:s18], [sflag:$0x3], $0x400, s22, s16, $0x38;
	[tilespmem:$0x1E800] =	vst v63  }
0xa9: {  	s9 =	sand.u32 $0x180, s6;
	s1 =	simm.s32 @!p0 $0x4;
	s3 =	sand.u32 $0x3FFFFE00, s24  }
0xaa: {  	s25 =	simm.s32 $0x10;
	_ =	swait.ge @!p0 [sflag:s1], $0x400;
	s24 =	sadd.s32 $0x1C000, s3  }
0xab: {  	s3 =	sand.u32 $0x70, s25;
	[sflag:s1] =	ssyncset.done @!p0 $0x0;
	s10 =	sadd.s32 s9, s24  }
0xac: {  	[sflag:s1] =	ssyncadd.s32 @!p0 $0xFFFFFC00;
	s26 =	sadd.s32 s3, s10  }
0xad: {  	s3 =	sand.u32 $0x60, s6;
	v2 =	vld [tilespmem:s26+$0x0]  }
0xae: {  	s6 =	sadd.s32 s3, s10  }
0xaf: {  	v0 =	vld [tilespmem:s6+$0x0];
	_ =	sdelay $0x2  }
0xb0: {  	v1 =	vshrl.u32 v2, $0x10  }
0xb1: {  	v3 =	vshrl.u32 v2, $0xD;
	v5 =	vshrl.u32 v2, $0x11;
	v9 =	vshll.u32 v2, $0x3  }
0xb2: {  	s10 =	simm.s32 $0x20;
	v4 =	vand.u32 $0xF800, v1;
	v3 =	vand.u32 $0x400, v3;
	v6 =	vshrl.u32 v0, $0x10  }
0xb3: {  	s11 =	simm.s32 $0x30;
	s25 =	sand.u32 $0x180, s10;
	v1 =	vand.u32 $0x7F, v1;
	v3 =	vor.u32 v3, v4;
	v4 =	vand.u32 $0x380, v5  }
0xb4: {  	s6 =	sand.u32 $0x70, s11;
	s13 =	sadd.s32 s25, s24;
	v5 =	vshrl.u32 v0, $0xD;
	v3 =	vor.u32 v4, v3;
	v4 =	vand.u32 $0xF800, v6  }
0xb5: {  	s6 =	sadd.s32 s6, s13;
	v5 =	vand.u32 $0x400, v5;
	v3 =	vor.u32 v1, v3;
	v1 =	vshll.u32 v0, $0x3  }
0xb6: {  	v4 =	vor.u32 v5, v4;
	v5 =	vshrl.u32 v0, $0x11;
	v7 =	vand.u32 $0x400, v1;
	v1 =	vld [tilespmem:s6+$0x0]  }
0xb7: {  	v8 =	vshrl.u32 v0, $0x1;
	v10 =	vand.u32 $0xF87F, v0;
	v5 =	vand.u32 $0x380, v5  }
0xb8: {  	v4 =	vor.u32 v5, v4;
	v5 =	vand.u32 $0x400, v9;
	v9 =	vshrl.u32 v2, $0x1  }
0xb9: {  	s11 =	sand.u32 $0x60, s10;
	v2 =	vand.u32 $0xF87F, v2;
	v7 =	vor.u32 v7, v10;
	v9 =	vand.u32 $0x380, v9  }
0xba: {  	s1 =	sadd.s32 s11, s13;
	v2 =	vor.u32 v5, v2;
	v5 =	vand.u32 $0x380, v8;
	v8 =	vand.u32 $0x7F, v6  }
0xbb: {  	v0 =	vld [tilespmem:s1+$0x0];
	v6 =	vor.u32 v9, v2;
	v2 =	vor.u32 v5, v7;
	v5 =	vshrl.u32 v1, $0xD  }
0xbc: {  	v9 =	vand.u32 $0x400, v5;
	v5 =	vld.idx.msk [tilespmem:v3+s5+$0x0], $0xffff  }
0xbd: {  	v4 =	vor.u32 v8, v4  }
0xbe: {  	v7 =	vshrl.u32 v1, $0x10  }
0xbf: {  	s26 =	simm.s32 $0x1E400;
	s3 =	sor.u32 s3, s9;
	v10 =	vshrl.u32 v1, $0x11;
	v8 =	vand.u32 $0xF800, v7  }
0xc0: {  	s25 =	sor.u32 s11, s25;
	s13 =	simm.s32 $0x50;
	s1 =	simm.s32 $0x2;
	v3 =	vshrl.u32 v0, $0x10;
	v8 =	vor.u32 v9, v8;
	v9 =	vand.u32 $0x380, v10  }
.LBB2_10:
0xc1: {  	s6 =	sadd.s32 $0xFFFFFFF0, s13;
	s1 =	sadd.s32 $0x2, s1;
	v10 =	vshrl.u32 v0, $0xD;
	v7 =	vand.u32 $0x7F, v7;
	v8 =	vor.u32 v9, v8;
	v6 =	vld.idx.msk [tilespmem:v6+s5+$0x0], $0xffff;
	[tilespmem:s26+$0x210] =	vst v5  }
0xc2: {  	v5 =	vand.u32 $0xF800, v3;
	s9 =	sand.u32 $0x180, s6;
	s6 =	sand.u32 $0x60, s6;
	p0 =	slt.u32 s1, $0x1E;
	v9 =	vand.u32 $0x400, v10;
	v7 =	vor.u32 v7, v8;
	v8 =	vld.idx.msk [tilespmem:v4+s5+$0x0], $0xffff  }
0xc3: {  	s11 =	sand.u32 $0x70, s13;
	v4 =	vshll.u32 v0, $0x3;
	s10 =	sadd.s32 s9, s24;
	s9 =	sor.u32 s6, s9;
	v5 =	vor.u32 v9, v5;
	v9 =	vshrl.u32 v0, $0x11;
	v10 =	vld.idx.msk [tilespmem:v2+s5+$0x0], $0xffff  }
0xc4: {  	v2 =	vand.u32 $0x400, v4;
	v4 =	vshrl.u32 v0, $0x1;
	s6 =	sadd.s32 s6, s10;
	s10 =	sadd.s32 s11, s10;
	v9 =	vand.u32 $0x380, v9  }
0xc5: {  	v12 =	vand.u32 $0xF87F, v0;
	v11 =	vld [tilespmem:s10+$0x0];
	v9 =	vor.u32 v9, v5;
	v5 =	vshll.u32 v1, $0x3  }
0xc6: {  	v13 =	vshrl.u32 v1, $0x1;
	v1 =	vand.u32 $0xF87F, v1;
	v0 =	vld [tilespmem:s6+$0x0];
	v5 =	vand.u32 $0x400, v5  }
0xc7: {  	v2 =	vor.u32 v2, v12;
	v12 =	vand.u32 $0x380, v13;
	v1 =	vor.u32 v5, v1;
	v5 =	vld.idx.msk [tilespmem:v7+s5+$0x0], $0xffff;
	[tilespmem:s26+$0x10] =	vst v6  }
.Ltmp5:
0xc8: {  	v3 =	vand.u32 $0x7F, v3;
	v4 =	vand.u32 $0x380, v4;
	v6 =	vor.u32 v12, v1;
	(pc) =	sbr.rel @p0 .LBB2_10-.Ltmp5, $4  }
0xc9: {  	v2 =	vor.u32 v4, v2;
	v4 =	vor.u32 v3, v9;
	[tilespmem:s26+$0x0] =	vst v10  }
0xca: {  	v7 =	vshrl.u32 v11, $0x10;
	v3 =	vshrl.u32 v11, $0xD;
	[tilespmem:s3+$0x1E600] =	vst v8;
	v1 =	vmov v11;
	s3 =	smov.u32 s25;
	s25 =	smov.u32 s9  }
0xcb: {  	v8 =	vand.u32 $0xF800, v7;
	v9 =	vand.u32 $0x400, v3;
	v10 =	vshrl.u32 v1, $0x11  }
0xcc: {  	s13 =	sadd.s32 $0x20, s13;
	s26 =	sadd.s32 $0x20, s26;
	v3 =	vshrl.u32 v0, $0x10;
	v8 =	vor.u32 v9, v8;
	v9 =	vand.u32 $0x380, v10  }
0xcd: {  	v10 =	vshrl.u32 v0, $0xD  }
0xce: {  	v7 =	vand.u32 $0x7F, v7;
	v8 =	vor.u32 v9, v8;
	v56 =	vand.u32 $0xF800, v3  }
0xcf: {  	v57 =	vshll.u32 v0, $0x3;
	v58 =	vshll.u32 v1, $0x3;
	v11 =	vand.u32 $0xF87F, v0  }
0xd0: {  	v12 =	vand.u32 $0xF87F, v1;
	v59 =	vshrl.u32 v1, $0x1;
	v60 =	vshrl.u32 v0, $0x11  }
0xd1: {  	v61 =	vshrl.u32 v0, $0x1;
	v10 =	vand.u32 $0x400, v10;
	v7 =	vor.u32 v7, v8  }
0xd2: {  	v8 =	vand.u32 $0x400, v57;
	v1 =	vand.u32 $0x380, v59;
	v0 =	vand.u32 $0x380, v61  }
0xd3: {  	v9 =	vor.u32 v10, v56;
	v10 =	vand.u32 $0x400, v58;
	v8 =	vor.u32 v8, v11  }
0xd4: {  	v11 =	vand.u32 $0x380, v60;
	v10 =	vor.u32 v10, v12;
	v0 =	vor.u32 v0, v8  }
0xd5: {  	v6 =	vld.idx.msk [tilespmem:v6+s5+$0x0], $0xffff;
	v62 =	vand.u32 $0x7F, v3;
	v9 =	vor.u32 v11, v9;
	v1 =	vor.u32 v1, v10  }
0xd6: {  	v2 =	vld.idx.msk [tilespmem:v2+s5+$0x0], $0xffff;
	v3 =	vor.u32 v62, v9  }
0xd7: {  	v4 =	vld.idx.msk [tilespmem:v4+s5+$0x0], $0xffff  }
0xd8: {  	v7 =	vld.idx.msk [tilespmem:v7+s5+$0x0], $0xffff  }
0xd9: {  	[tilespmem:s26+$0x210] =	vst v5;
	v0 =	vld.idx.msk [tilespmem:v0+s5+$0x0], $0xffff  }
0xda: {  	[tilespmem:s26+$0x10] =	vst v6;
	v1 =	vld.idx.msk [tilespmem:v1+s5+$0x0], $0xffff  }
0xdb: {  	s8 =	sadd.s32 $0x1, s8;
	[tilespmem:s26+$0x0] =	vst v2;
	v63 =	vld.idx.msk [tilespmem:v3+s5+$0x0], $0xffff  }
0xdc: {  	s1 =	sadd.s32 $0x20, s26;
	p0 =	sne.s32 s8, $0x8;
	[tilespmem:s3+$0x1E600] =	vst v4  }
.Ltmp6:
0xdd: {  	s24 =	sshll.u32 s14, $0xD;
	[tilespmem:s1+$0x210] =	vst v7;
	(pc) =	sbr.rel @p0 .LBB2_7-.Ltmp6, $4  }
0xde: {  	s3 =	sadd.s32 s0, s24;
	[tilespmem:s1+$0x0] =	vst v0  }
0xdf: {  	s26 =	sshrl.u32 s3, $0x3;
	[tilespmem:s1+$0x10] =	vst v1  }
0xe0: {  	s28 =	sadd.s32 $0x1, s28;
	[tilespmem:s25+$0x1E600] =	vst v63;
	s1 =	sadd.s32 s4, s26  }
0xe1: {  	[hbm4b:s1+s16] =	stream.strided.scatter [tilespmem:s20], [sflag:$0x4], $0x400, s22, s16, $0x38;
	[tilespmem:$0x1E800] =	vst v63  }
0xe2: {  	p0 =	seq.s32 s29, $0xB  }
0xe3: {  	s0 =	smul.u32 @!p0 $0xE000, s30;
	_ =	sdelay $0x1  }
0xe4: {  	s0 =	sadd.s32 @!p0 s0, s12  }
0xe5: {  	s1 =	rddreg [dreg:$0x0];
	s0 =	sshrl.u32 @!p0 s0, $0x3  }
0xe6: {  	s0 =	sadd.s32 @!p0 s1, s0;
	s1 =	simm.s32 @!p0 $0x0  }
0xe7: {  	[tilespmem:s1], [sflag:$0x1] =	stream.linear.gather @!p0 [hbm4b:s0+s1], $0xE000, $0x38;
	[tilespmem:$0x1E800] =	vst v63  }
0xe8: {  	_ =	swait.ge [sflag:s23], $0xE000  }
0xe9: {  	s31 =	sor.u32 s31, s2;
	s8 =	simm.s32 $0x0;
	[sflag:s23] =	ssyncset.done $0x0  }
0xea: {  	s2 =	sor.u32 $0x80, s31;
	s0 =	sor.u32 $0x8, s7;
	[sflag:s23] =	ssyncadd.s32 $0xFFFF2000  }
.LBB2_13:
0xeb: {  	p1 =	slt.s32 s0, $0x1;
	s3 =	sshll.u32 s8, $0xA;
	s6 =	simm.s32 $0x0  }
0xec: {  	s11 =	simm.s32 $0x10;
	s1 =	simm.s32 @!p1 $0x3;
	s3 =	sand.u32 $0x3FFFFC00, s3  }
0xed: {  	s9 =	sand.u32 $0x180, s6;
	_ =	swait.ge @!p1 [sflag:s1], $0x400;
	s14 =	sadd.s32 $0x1C000, s3  }
0xee: {  	s3 =	sand.u32 $0x70, s11;
	[sflag:s1] =	ssyncset.done @!p1 $0x0;
	s10 =	sadd.s32 s9, s14  }
0xef: {  	s24 =	sand.u32 $0x60, s6;
	[sflag:s1] =	ssyncadd.s32 @!p1 $0xFFFFFC00;
	s13 =	sadd.s32 s3, s10  }
0xf0: {  	s25 =	sadd.s32 s24, s10;
	v2 =	vld [tilespmem:s13+$0x0]  }
0xf1: {  	v0 =	vld [tilespmem:s25+$0x0];
	_ =	sdelay $0x3  }
0xf2: {  	v1 =	vshrl.u32 v2, $0x10  }
0xf3: {  	v3 =	vshrl.u32 v2, $0xD;
	v5 =	vshrl.u32 v2, $0x11;
	v6 =	vshrl.u32 v0, $0x10  }
0xf4: {  	s26 =	simm.s32 $0x20;
	v8 =	vshrl.u32 v0, $0x1;
	v4 =	vand.u32 $0xF800, v1;
	v3 =	vand.u32 $0x400, v3  }
0xf5: {  	s28 =	simm.s32 $0x30;
	s31 =	sand.u32 $0x180, s26;
	v1 =	vand.u32 $0x7F, v1;
	v3 =	vor.u32 v3, v4;
	v4 =	vand.u32 $0x380, v5  }
0xf6: {  	s6 =	sand.u32 $0x70, s28;
	s11 =	sadd.s32 s31, s14;
	v5 =	vshrl.u32 v0, $0xD;
	v3 =	vor.u32 v4, v3;
	v4 =	vand.u32 $0xF800, v6  }
0xf7: {  	s6 =	sadd.s32 s6, s11;
	v5 =	vand.u32 $0x400, v5;
	v3 =	vor.u32 v1, v3;
	v1 =	vshll.u32 v0, $0x3  }
0xf8: {  	v4 =	vor.u32 v5, v4;
	v5 =	vshrl.u32 v0, $0x11;
	v7 =	vand.u32 $0x400, v1;
	v1 =	vld [tilespmem:s6+$0x0]  }
0xf9: {  	v9 =	vshll.u32 v2, $0x3;
	v10 =	vand.u32 $0xF87F, v0;
	v5 =	vand.u32 $0x380, v5  }
0xfa: {  	v4 =	vor.u32 v5, v4;
	v5 =	vand.u32 $0x400, v9;
	v9 =	vshrl.u32 v2, $0x1  }
0xfb: {  	s13 =	sand.u32 $0x60, s26;
	v2 =	vand.u32 $0xF87F, v2;
	v7 =	vor.u32 v7, v10;
	v9 =	vand.u32 $0x380, v9  }
0xfc: {  	s1 =	sadd.s32 s13, s11;
	v2 =	vor.u32 v5, v2;
	v5 =	vand.u32 $0x380, v8;
	v8 =	vand.u32 $0x7F, v6  }
0xfd: {  	v0 =	vld [tilespmem:s1+$0x0];
	v6 =	vor.u32 v9, v2;
	v2 =	vor.u32 v5, v7;
	v5 =	vshrl.u32 v1, $0xD  }
0xfe: {  	v9 =	vand.u32 $0x400, v5;
	v5 =	vld.idx.msk [tilespmem:v3+s15+$0x0], $0xffff  }
0xff: {  	v4 =	vor.u32 v8, v4  }
0x100: {  	v7 =	vshrl.u32 v1, $0x10  }
0x101: {  	s3 =	sor.u32 s24, s9;
	s25 =	simm.s32 $0x1E000;
	v10 =	vshrl.u32 v1, $0x11;
	v8 =	vand.u32 $0xF800, v7  }
0x102: {  	s24 =	sor.u32 s13, s31;
	s13 =	simm.s32 $0x50;
	s1 =	simm.s32 $0x2;
	v3 =	vshrl.u32 v0, $0x10;
	v8 =	vor.u32 v9, v8;
	v9 =	vand.u32 $0x380, v10  }
.LBB2_14:
0x103: {  	s6 =	sadd.s32 $0xFFFFFFF0, s13;
	s1 =	sadd.s32 $0x2, s1;
	v10 =	vshrl.u32 v0, $0xD;
	v7 =	vand.u32 $0x7F, v7;
	v8 =	vor.u32 v9, v8;
	v6 =	vld.idx.msk [tilespmem:v6+s15+$0x0], $0xffff;
	[tilespmem:s25+$0x210] =	vst v5  }
0x104: {  	v5 =	vand.u32 $0xF800, v3;
	s9 =	sand.u32 $0x180, s6;
	s6 =	sand.u32 $0x60, s6;
	p2 =	slt.u32 s1, $0x1E;
	v9 =	vand.u32 $0x400, v10;
	v7 =	vor.u32 v7, v8;
	v8 =	vld.idx.msk [tilespmem:v4+s15+$0x0], $0xffff  }
0x105: {  	s11 =	sand.u32 $0x70, s13;
	v4 =	vshll.u32 v0, $0x3;
	s10 =	sadd.s32 s9, s14;
	s9 =	sor.u32 s6, s9;
	v5 =	vor.u32 v9, v5;
	v9 =	vshrl.u32 v0, $0x11;
	v10 =	vld.idx.msk [tilespmem:v2+s15+$0x0], $0xffff  }
0x106: {  	v2 =	vand.u32 $0x400, v4;
	v4 =	vshrl.u32 v0, $0x1;
	s6 =	sadd.s32 s6, s10;
	s10 =	sadd.s32 s11, s10;
	v9 =	vand.u32 $0x380, v9  }
0x107: {  	v12 =	vand.u32 $0xF87F, v0;
	v11 =	vld [tilespmem:s10+$0x0];
	v9 =	vor.u32 v9, v5;
	v5 =	vshll.u32 v1, $0x3  }
0x108: {  	v13 =	vshrl.u32 v1, $0x1;
	v1 =	vand.u32 $0xF87F, v1;
	v0 =	vld [tilespmem:s6+$0x0];
	v5 =	vand.u32 $0x400, v5  }
0x109: {  	v2 =	vor.u32 v2, v12;
	v12 =	vand.u32 $0x380, v13;
	v1 =	vor.u32 v5, v1;
	v5 =	vld.idx.msk [tilespmem:v7+s15+$0x0], $0xffff;
	[tilespmem:s25+$0x10] =	vst v6  }
.Ltmp7:
0x10a: {  	v3 =	vand.u32 $0x7F, v3;
	v4 =	vand.u32 $0x380, v4;
	v6 =	vor.u32 v12, v1;
	(pc) =	sbr.rel @p2 .LBB2_14-.Ltmp7, $4  }
0x10b: {  	v2 =	vor.u32 v4, v2;
	v4 =	vor.u32 v3, v9;
	[tilespmem:s25+$0x0] =	vst v10  }
0x10c: {  	v7 =	vshrl.u32 v11, $0x10;
	v3 =	vshrl.u32 v11, $0xD;
	[tilespmem:s3+$0x1E200] =	vst v8;
	v1 =	vmov v11;
	s3 =	smov.u32 s24;
	s24 =	smov.u32 s9  }
0x10d: {  	v8 =	vand.u32 $0xF800, v7;
	v9 =	vand.u32 $0x400, v3;
	v10 =	vshrl.u32 v1, $0x11  }
0x10e: {  	s13 =	sadd.s32 $0x20, s13;
	s25 =	sadd.s32 $0x20, s25;
	v3 =	vshrl.u32 v0, $0x10;
	v8 =	vor.u32 v9, v8;
	v9 =	vand.u32 $0x380, v10  }
0x10f: {  	v10 =	vshrl.u32 v0, $0xD  }
0x110: {  	v7 =	vand.u32 $0x7F, v7;
	v8 =	vor.u32 v9, v8;
	v9 =	vand.u32 $0xF800, v3  }
0x111: {  	v11 =	vand.u32 $0xF87F, v0;
	v12 =	vand.u32 $0xF87F, v1;
	v10 =	vand.u32 $0x400, v10  }
0x112: {  	v7 =	vor.u32 v7, v8;
	v8 =	vshll.u32 v0, $0x3;
	v9 =	vor.u32 v10, v9  }
0x113: {  	v8 =	vand.u32 $0x400, v8;
	v10 =	vshll.u32 v1, $0x3;
	v1 =	vshrl.u32 v1, $0x1  }
0x114: {  	v10 =	vand.u32 $0x400, v10;
	v8 =	vor.u32 v8, v11;
	v11 =	vshrl.u32 v0, $0x11  }
0x115: {  	v0 =	vshrl.u32 v0, $0x1;
	v1 =	vand.u32 $0x380, v1;
	v10 =	vor.u32 v10, v12  }
0x116: {  	v11 =	vand.u32 $0x380, v11;
	v0 =	vand.u32 $0x380, v0;
	v1 =	vor.u32 v1, v10  }
0x117: {  	v6 =	vld.idx.msk [tilespmem:v6+s15+$0x0], $0xffff;
	v3 =	vand.u32 $0x7F, v3;
	v9 =	vor.u32 v11, v9;
	v0 =	vor.u32 v0, v8  }
0x118: {  	v2 =	vld.idx.msk [tilespmem:v2+s15+$0x0], $0xffff;
	v3 =	vor.u32 v3, v9  }
0x119: {  	v4 =	vld.idx.msk [tilespmem:v4+s15+$0x0], $0xffff  }
0x11a: {  	v7 =	vld.idx.msk [tilespmem:v7+s15+$0x0], $0xffff  }
0x11b: {  	[tilespmem:s25+$0x210] =	vst v5;
	v1 =	vld.idx.msk [tilespmem:v1+s15+$0x0], $0xffff  }
0x11c: {  	[tilespmem:s25+$0x10] =	vst v6;
	v0 =	vld.idx.msk [tilespmem:v0+s15+$0x0], $0xffff  }
0x11d: {  	[tilespmem:s25+$0x0] =	vst v2;
	v2 =	vld.idx.msk [tilespmem:v3+s15+$0x0], $0xffff  }
0x11e: {  	s1 =	sadd.s32 $0x20, s25;
	[tilespmem:s3+$0x1E200] =	vst v4  }
0x11f: {  	s6 =	sshll.u32 s8, $0xE;
	[tilespmem:s1+$0x210] =	vst v7  }
0x120: {  	s3 =	sadd.s32 s2, s6;
	[tilespmem:s1+$0x10] =	vst v1  }
0x121: {  	s14 =	sshllo.u32 s8, $0x1;
	s9 =	sshrl.u32 s3, $0x3;
	[tilespmem:s1+$0x0] =	vst v0  }
0x122: {  	s11 =	simm.s32 $0x10;
	s10 =	sshll.u32 s14, $0x9;
	s1 =	sadd.s32 s4, s9;
	[tilespmem:s24+$0x1E200] =	vst v2  }
0x123: {  	[hbm4b:s1+s16] =	stream.strided.scatter [tilespmem:s18], [sflag:$0x3], $0x400, s22, s16, $0x38;
	[tilespmem:$0x1E800] =	vst v63  }
0x124: {  	s6 =	simm.s32 $0x0;
	s3 =	sand.u32 $0x3FFFFE00, s10;
	s1 =	simm.s32 @!p1 $0x4  }
0x125: {  	s9 =	sand.u32 $0x180, s6;
	s24 =	sadd.s32 $0x1C000, s3;
	_ =	swait.ge @!p1 [sflag:s1], $0x400  }
0x126: {  	s3 =	sand.u32 $0x70, s11;
	s10 =	sadd.s32 s9, s24;
	[sflag:s1] =	ssyncset.done @!p1 $0x0  }
0x127: {  	s13 =	sadd.s32 s3, s10;
	s3 =	sand.u32 $0x60, s6;
	[sflag:s1] =	ssyncadd.s32 @!p1 $0xFFFFFC00  }
0x128: {  	s25 =	sadd.s32 s3, s10;
	v2 =	vld [tilespmem:s13+$0x0]  }
0x129: {  	v0 =	vld [tilespmem:s25+$0x0];
	_ =	sdelay $0x3  }
0x12a: {  	v1 =	vshrl.u32 v2, $0x10  }
0x12b: {  	v3 =	vshrl.u32 v2, $0xD;
	v5 =	vshrl.u32 v2, $0x11;
	v6 =	vshrl.u32 v0, $0x10  }
0x12c: {  	s26 =	simm.s32 $0x20;
	v8 =	vshrl.u32 v0, $0x1;
	v4 =	vand.u32 $0xF800, v1;
	v3 =	vand.u32 $0x400, v3  }
0x12d: {  	s28 =	simm.s32 $0x30;
	s31 =	sand.u32 $0x180, s26;
	v1 =	vand.u32 $0x7F, v1;
	v3 =	vor.u32 v3, v4;
	v4 =	vand.u32 $0x380, v5  }
0x12e: {  	s11 =	sadd.s32 s31, s24;
	s6 =	sand.u32 $0x70, s28;
	v5 =	vshrl.u32 v0, $0xD;
	v3 =	vor.u32 v4, v3;
	v4 =	vand.u32 $0xF800, v6  }
0x12f: {  	s6 =	sadd.s32 s6, s11;
	v5 =	vand.u32 $0x400, v5;
	v3 =	vor.u32 v1, v3;
	v1 =	vshll.u32 v0, $0x3  }
0x130: {  	v4 =	vor.u32 v5, v4;
	v5 =	vshrl.u32 v0, $0x11;
	v7 =	vand.u32 $0x400, v1;
	v1 =	vld [tilespmem:s6+$0x0]  }
0x131: {  	v9 =	vshll.u32 v2, $0x3;
	v10 =	vand.u32 $0xF87F, v0;
	v5 =	vand.u32 $0x380, v5  }
0x132: {  	v4 =	vor.u32 v5, v4;
	v5 =	vand.u32 $0x400, v9;
	v9 =	vshrl.u32 v2, $0x1  }
0x133: {  	s13 =	sand.u32 $0x60, s26;
	v2 =	vand.u32 $0xF87F, v2;
	v7 =	vor.u32 v7, v10;
	v9 =	vand.u32 $0x380, v9  }
0x134: {  	s1 =	sadd.s32 s13, s11;
	v2 =	vor.u32 v5, v2;
	v5 =	vand.u32 $0x380, v8;
	v8 =	vand.u32 $0x7F, v6  }
0x135: {  	v0 =	vld [tilespmem:s1+$0x0];
	v6 =	vor.u32 v9, v2;
	v2 =	vor.u32 v5, v7;
	v5 =	vshrl.u32 v1, $0xD  }
0x136: {  	v9 =	vand.u32 $0x400, v5;
	v5 =	vld.idx.msk [tilespmem:v3+s15+$0x0], $0xffff  }
0x137: {  	v4 =	vor.u32 v8, v4  }
0x138: {  	v7 =	vshrl.u32 v1, $0x10  }
0x139: {  	s3 =	sor.u32 s3, s9;
	s26 =	simm.s32 $0x1E400;
	v10 =	vshrl.u32 v1, $0x11;
	v8 =	vand.u32 $0xF800, v7  }
0x13a: {  	s25 =	sor.u32 s13, s31;
	s13 =	simm.s32 $0x50;
	s1 =	simm.s32 $0x2;
	v3 =	vshrl.u32 v0, $0x10;
	v8 =	vor.u32 v9, v8;
	v9 =	vand.u32 $0x380, v10  }
.LBB2_16:
0x13b: {  	s6 =	sadd.s32 $0xFFFFFFF0, s13;
	s1 =	sadd.s32 $0x2, s1;
	v10 =	vshrl.u32 v0, $0xD;
	v7 =	vand.u32 $0x7F, v7;
	v8 =	vor.u32 v9, v8;
	v6 =	vld.idx.msk [tilespmem:v6+s15+$0x0], $0xffff;
	[tilespmem:s26+$0x210] =	vst v5  }
0x13c: {  	v5 =	vand.u32 $0xF800, v3;
	s9 =	sand.u32 $0x180, s6;
	s6 =	sand.u32 $0x60, s6;
	p1 =	slt.u32 s1, $0x1E;
	v9 =	vand.u32 $0x400, v10;
	v7 =	vor.u32 v7, v8;
	v8 =	vld.idx.msk [tilespmem:v4+s15+$0x0], $0xffff  }
0x13d: {  	s11 =	sand.u32 $0x70, s13;
	v4 =	vshll.u32 v0, $0x3;
	s10 =	sadd.s32 s9, s24;
	s9 =	sor.u32 s6, s9;
	v5 =	vor.u32 v9, v5;
	v9 =	vshrl.u32 v0, $0x11;
	v10 =	vld.idx.msk [tilespmem:v2+s15+$0x0], $0xffff  }
0x13e: {  	v2 =	vand.u32 $0x400, v4;
	v4 =	vshrl.u32 v0, $0x1;
	s6 =	sadd.s32 s6, s10;
	s10 =	sadd.s32 s11, s10;
	v9 =	vand.u32 $0x380, v9  }
0x13f: {  	v12 =	vand.u32 $0xF87F, v0;
	v11 =	vld [tilespmem:s10+$0x0];
	v9 =	vor.u32 v9, v5;
	v5 =	vshll.u32 v1, $0x3  }
0x140: {  	v13 =	vshrl.u32 v1, $0x1;
	v1 =	vand.u32 $0xF87F, v1;
	v0 =	vld [tilespmem:s6+$0x0];
	v5 =	vand.u32 $0x400, v5  }
0x141: {  	v2 =	vor.u32 v2, v12;
	v12 =	vand.u32 $0x380, v13;
	v1 =	vor.u32 v5, v1;
	v5 =	vld.idx.msk [tilespmem:v7+s15+$0x0], $0xffff;
	[tilespmem:s26+$0x10] =	vst v6  }
.Ltmp8:
0x142: {  	v3 =	vand.u32 $0x7F, v3;
	v4 =	vand.u32 $0x380, v4;
	v6 =	vor.u32 v12, v1;
	(pc) =	sbr.rel @p1 .LBB2_16-.Ltmp8, $4  }
0x143: {  	v2 =	vor.u32 v4, v2;
	v4 =	vor.u32 v3, v9;
	[tilespmem:s26+$0x0] =	vst v10  }
0x144: {  	v7 =	vshrl.u32 v11, $0x10;
	v3 =	vshrl.u32 v11, $0xD;
	[tilespmem:s3+$0x1E600] =	vst v8;
	v1 =	vmov v11;
	s3 =	smov.u32 s25;
	s25 =	smov.u32 s9  }
0x145: {  	v8 =	vand.u32 $0xF800, v7;
	v9 =	vand.u32 $0x400, v3;
	v10 =	vshrl.u32 v1, $0x11  }
0x146: {  	s13 =	sadd.s32 $0x20, s13;
	s26 =	sadd.s32 $0x20, s26;
	v3 =	vshrl.u32 v0, $0x10;
	v8 =	vor.u32 v9, v8;
	v9 =	vand.u32 $0x380, v10  }
0x147: {  	v10 =	vshrl.u32 v0, $0xD  }
0x148: {  	v7 =	vand.u32 $0x7F, v7;
	v8 =	vor.u32 v9, v8;
	v56 =	vand.u32 $0xF800, v3  }
0x149: {  	v57 =	vshll.u32 v0, $0x3;
	v58 =	vshll.u32 v1, $0x3;
	v11 =	vand.u32 $0xF87F, v0  }
0x14a: {  	v12 =	vand.u32 $0xF87F, v1;
	v59 =	vshrl.u32 v1, $0x1;
	v60 =	vshrl.u32 v0, $0x11  }
0x14b: {  	v61 =	vshrl.u32 v0, $0x1;
	v10 =	vand.u32 $0x400, v10;
	v7 =	vor.u32 v7, v8  }
0x14c: {  	v8 =	vand.u32 $0x400, v57;
	v1 =	vand.u32 $0x380, v59;
	v0 =	vand.u32 $0x380, v61  }
0x14d: {  	v9 =	vor.u32 v10, v56;
	v10 =	vand.u32 $0x400, v58;
	v8 =	vor.u32 v8, v11  }
0x14e: {  	v11 =	vand.u32 $0x380, v60;
	v10 =	vor.u32 v10, v12;
	v0 =	vor.u32 v0, v8  }
0x14f: {  	v6 =	vld.idx.msk [tilespmem:v6+s15+$0x0], $0xffff;
	v62 =	vand.u32 $0x7F, v3;
	v9 =	vor.u32 v11, v9;
	v1 =	vor.u32 v1, v10  }
0x150: {  	v2 =	vld.idx.msk [tilespmem:v2+s15+$0x0], $0xffff;
	v3 =	vor.u32 v62, v9  }
0x151: {  	v4 =	vld.idx.msk [tilespmem:v4+s15+$0x0], $0xffff  }
0x152: {  	v7 =	vld.idx.msk [tilespmem:v7+s15+$0x0], $0xffff  }
0x153: {  	[tilespmem:s26+$0x210] =	vst v5;
	v0 =	vld.idx.msk [tilespmem:v0+s15+$0x0], $0xffff  }
0x154: {  	[tilespmem:s26+$0x10] =	vst v6;
	v1 =	vld.idx.msk [tilespmem:v1+s15+$0x0], $0xffff  }
0x155: {  	s8 =	sadd.s32 $0x1, s8;
	[tilespmem:s26+$0x0] =	vst v2;
	v63 =	vld.idx.msk [tilespmem:v3+s15+$0x0], $0xffff  }
0x156: {  	s1 =	sadd.s32 $0x20, s26;
	p1 =	sne.s32 s8, $0x8;
	[tilespmem:s3+$0x1E600] =	vst v4  }
.Ltmp9:
0x157: {  	s28 =	sshll.u32 s14, $0xD;
	[tilespmem:s1+$0x210] =	vst v7;
	(pc) =	sbr.rel @p1 .LBB2_13-.Ltmp9, $4  }
0x158: {  	s3 =	sadd.s32 s2, s28;
	[tilespmem:s1+$0x0] =	vst v0  }
0x159: {  	s31 =	sshrl.u32 s3, $0x3;
	[tilespmem:s1+$0x10] =	vst v1  }
0x15a: {  	s0 =	sadd.s32 $0x1, s0;
	[tilespmem:s25+$0x1E600] =	vst v63;
	s1 =	sadd.s32 s4, s31  }
0x15b: {  	[hbm4b:s1+s16] =	stream.strided.scatter [tilespmem:s20], [sflag:$0x4], $0x400, s22, s16, $0x38;
	[tilespmem:$0x1E800] =	vst v63  }
.Ltmp10:
0x15c: {  	(pc) =	sbr.rel @p0 .LBB2_20-.Ltmp10, $1  }
0x15d: {  	_ =	sdelay $0x3  }
0x15e: {  	s0 =	smul.u32 $0xE000, s30  }
.Ltmp11:
0x15f: {  	s1 =	rddreg [dreg:$0xa];
	(pc) =	sbr.rel .LBB2_6-.Ltmp11, $4  }
0x160: {  	s0 =	sadd.s32 s0, s1  }
0x161: {  	s31 =	rddreg [dreg:$0x0];
	s0 =	sshrl.u32 s0, $0x3  }
0x162: {  	s7 =	sadd.s32 $0x10, s7;
	s29 =	sadd.s32 $0x1, s29;
	s0 =	sadd.s32 s31, s0  }
0x163: {  	[tilespmem:s15], [sflag:$0x2] =	stream.linear.gather [hbm4b:s0+s5], $0xE000, $0x38;
	[tilespmem:$0x1E800] =	vst v63  }
.LBB2_21:
0x164: {  	_ =	sfence.sel $0x180000  }
0x165: {  	[bflag:$0x0] =	sbarrier.arrive $0xFFFF  }
0x166: {  	_ =	strace $0x90000047  }
0x167: {  	s0 =	stileid.u32;
	[bflag:$0x2] =	sbarrier.arrive $0xFFFF  }
0x168: {  	p0 =	sne.s32 s0, $0x0;
	s0 =	rddreg [dreg:$0x3]  }
0x169: {  	s0 =	sadd.s32 @!p0 $0x100000, s0  }
0x16a: {  	[sflag:s0] =	ssyncadd.tile.s32 @!p0 $0x1;
	_ =	shalt  }
.Lfunc_end2:
_tile_overlayer_lowered:
.L_overlay_start_2:
0x16b: {  	(tag) =	ssettag $0x2  }
0x16c: {  	s0 =	rddreg [dreg:$0x0];
	s2 =	stileid.u32  }
0x16d: {  	s1 =	rddreg [dreg:$0x1];
	p0 =	sne.s32 s2, $0x0  }
0x16e: {  	s3 =	rddreg [dreg:$0x2];
	[bflag:$0x3] =	sbarrier.arrive $0xFFFF;
	s2 =	simm.s32 @!p0 $0x1C05  }
0x16f: {  	[timem:s3], [sflag:s2] =	dma.local @!p0 [hbm:s0], s1  }
0x170: {  	s0 =	simm.s32 @!p0 $0x5  }
0x171: {  	_ =	swait.ge @!p0 [sflag:s0], s1  }
0x172: {  	s1 =	ssub.s32 @!p0 $0x0, s1;
	[sflag:s0] =	ssyncset.done @!p0 $0x0  }
0x173: {  	[sflag:s0] =	ssyncadd.s32 @!p0 s1  }
0x174: {  	[bflag:$0x3] =	sbarrier.arrive $0xFFFF  }
0x175: {  	_ =	shalt  }

</sc_bundles>
